<compile_context>
chip_gen: v7x
topology: tpu7x:2x2x1
jax: 0.10.2.dev20260603
libtpu: 0.0.44.dev20260713+nightly
codegen_flags: <defaults>
</compile_context>

<pallas_src>
import functools

import jax
import jax.numpy as jnp
from jax import lax
from jax.experimental import pallas as pl
from jax.experimental.pallas import tpu as pltpu
from jax.experimental.pallas import tpu_sc as plsc

NC = 2
NS = 16
NW = NC * NS
CH = 128
CHD = 128
NB = 4
LAG = 2
IVR = 4
KD = 4


def _sc_mesh():
    return plsc.VectorSubcoreMesh(
        core_axis_name="c", subcore_axis_name="s",
        num_cores=NC, num_subcores=NS)


def _deg_kernel(np_, nchd):
    rows_per_tile = np_ // NS
    ngd = nchd // KD

    @functools.partial(
        pl.kernel,
        out_type=jax.ShapeDtypeStruct((NC, np_, 128), jnp.float32),
        mesh=_sc_mesh(),
        scratch_types=[
            pltpu.VMEM((nchd, CHD), jnp.int32),
            pltpu.VMEM((CHD, 128), jnp.float32),
            pltpu.VMEM_SHARED((np_, 128), jnp.float32),
            pltpu.SemaphoreType.DMA,
        ],
    )
    def deg_kernel(dst_hbm, ones_hbm, zeros_hbm, out_hbm,
                   dst_v, ones_v, acc_sh, sem):
        cid = lax.axis_index("c")
        sid = lax.axis_index("s")
        wid = sid * NC + cid
        base = sid * rows_per_tile
        pltpu.sync_copy(zeros_hbm.at[pl.ds(base, rows_per_tile)],
                        acc_sh.at[pl.ds(base, rows_per_tile)])
        pltpu.sync_copy(dst_hbm.at[wid], dst_v)
        pltpu.sync_copy(ones_hbm, ones_v)
        plsc.subcore_barrier()

        def start(j):
            pltpu.async_copy(ones_v, acc_sh.at[dst_v.at[j]], sem, add=True)

        def drain(j):
            pltpu.make_async_copy(ones_v, acc_sh.at[dst_v.at[j]], sem).wait()

        for k in range(KD):
            start(k)

        def body(g, carry):
            for k in range(KD):
                start(g * KD + k)
            for k in range(KD):
                drain((g - 1) * KD + k)
            return carry
        lax.fori_loop(1, ngd, body, 0)
        for k in range(KD):
            drain((ngd - 1) * KD + k)
        plsc.subcore_barrier()
        pltpu.sync_copy(acc_sh.at[pl.ds(base, rows_per_tile)],
                        out_hbm.at[cid, pl.ds(base, rows_per_tile)])

    return deg_kernel


def _agg_kernel(np_, cnt0, cnt1, w):
    rows_per_tile = np_ // NS
    cmax = max(cnt0, cnt1)

    @functools.partial(
        pl.kernel,
        out_type=jax.ShapeDtypeStruct((NC, np_, w), jnp.float32),
        mesh=_sc_mesh(),
        scratch_types=[
            pltpu.VMEM((cmax, CH), jnp.int32),
            pltpu.VMEM((cmax, CH), jnp.int32),
            pltpu.VMEM((CH, w), jnp.float32),
            pltpu.VMEM_SHARED((np_, w), jnp.float32),
        ],
    )
    def agg_kernel(hs_hbm, src_hbm, dst_hbm, zeros_hbm, out_hbm,
                   src_v, dst_v, buf, acc_sh):
        cid = lax.axis_index("c")
        sid = lax.axis_index("s")
        wid = sid * NC + cid
        base = sid * rows_per_tile
        cnt = jnp.where(cid == 0, cnt0, cnt1)
        pltpu.sync_copy(zeros_hbm.at[pl.ds(base, rows_per_tile)],
                        acc_sh.at[pl.ds(base, rows_per_tile)])
        pltpu.sync_copy(src_hbm.at[wid], src_v)
        pltpu.sync_copy(dst_hbm.at[wid], dst_v)
        plsc.subcore_barrier()

        def body(j, carry):
            pltpu.sync_copy(hs_hbm.at[src_v.at[j]], buf)
            pltpu.sync_copy(buf, acc_sh.at[dst_v.at[j]], add=True)
            return carry
        lax.fori_loop(0, cnt, body, 0)
        plsc.subcore_barrier()
        pltpu.sync_copy(acc_sh.at[pl.ds(base, rows_per_tile)],
                        out_hbm.at[cid, pl.ds(base, rows_per_tile)])

    return agg_kernel


def _mm1_body(x_ref, w1_ref, w2a_ref, wsk_ref, b2_ref,
              h1_ref, p2a_ref, skp_ref):
    xb = x_ref[...]
    h1_ref[...] = jnp.dot(xb, w1_ref[...], preferred_element_type=jnp.float32)
    p2a_ref[...] = jnp.dot(xb, w2a_ref[...], preferred_element_type=jnp.float32)
    skp_ref[...] = (jnp.dot(xb, wsk_ref[...], preferred_element_type=jnp.float32)
                    + b2_ref[...])


def _disb_body(dp_ref, out_ref):
    out_ref[...] = lax.rsqrt(dp_ref[0] + dp_ref[1] + 1.0)


def _scale_body(disb_ref, h1_ref, b1_ref, hs1_ref, sb1_ref):
    dis = disb_ref[...]
    h1 = h1_ref[...]
    hs1_ref[...] = h1 * dis
    sb1_ref[...] = h1 * (dis * dis) + b1_ref[...]


def _mid_body(disb_ref, a1_ref, sb1_ref, p2a_ref, skp_ref, w2b_ref,
              hs2_ref, base_ref):
    dis = disb_ref[...]
    x1 = jnp.maximum(dis * (a1_ref[0] + a1_ref[1]) + sb1_ref[...], 0.0)
    h2 = p2a_ref[...] + jnp.dot(x1, w2b_ref[...],
                                preferred_element_type=jnp.float32)
    hs2_ref[...] = h2 * dis
    base_ref[...] = h2 * (dis * dis) + skp_ref[...]


def _fin_body(disb_ref, a2_ref, base_ref, out_ref):
    dis = disb_ref[...]
    out_ref[...] = dis * (a2_ref[0] + a2_ref[1]) + base_ref[...]


def kernel(x, edge_index, W1, b1, W2, b2, W_skip):
    n, d = x.shape
    hdim = W1.shape[1]
    ncls = W_skip.shape[1]
    e = edge_index.shape[1]

    np_ = ((n + 1 + 127) // 128) * 128
    ncht = (e + CH - 1) // CH
    ncht = ((ncht + NS * 8 - 1) // (NS * 8)) * (NS * 8)
    per_pair = ncht // NS
    cnt1 = 80
    cnt0 = per_pair - cnt1
    ep = ncht * CH
    nchd = ep // (NW * CHD)
    c2 = ((ncls + 127) // 128) * 128

    ei = edge_index.astype(jnp.int32)
    pad = jnp.full((ep - e,), n, jnp.int32)
    srcf = jnp.concatenate([ei[0], pad])
    dstf = jnp.concatenate([ei[1], pad])
    cmax = max(cnt0, cnt1)

    def per_tile(flat):
        p0 = flat[:NS * cnt0 * CH].reshape(NS, cnt0, CH)
        p1 = flat[NS * cnt0 * CH:].reshape(NS, cnt1, CH)
        p0 = jnp.pad(p0, ((0, 0), (0, cmax - cnt0), (0, 0)), constant_values=n)
        p1 = jnp.pad(p1, ((0, 0), (0, cmax - cnt1), (0, 0)), constant_values=n)
        return jnp.stack([p0, p1], axis=1).reshape(NW, cmax, CH)

    src4 = per_tile(srcf)
    dst4 = per_tile(dstf)
    dstd = dstf.reshape(NW, nchd, CHD)

    x_pad = jnp.pad(x, ((0, np_ - n), (0, 0)))
    b1r = b1.reshape(1, hdim)
    b2r = jnp.pad(b2, (0, c2 - ncls)).reshape(1, c2)
    W2a = jnp.pad(W2[:d], ((0, 0), (0, c2 - ncls)))
    W2b = jnp.pad(W2[d:], ((0, 0), (0, c2 - ncls)))
    Wsk = jnp.pad(W_skip, ((0, 0), (0, c2 - ncls)))
    zh = jnp.zeros((np_, hdim), jnp.float32)

    f32 = jnp.float32
    BR = np_ // 8
    grid = (np_ // BR,)

    def full(shape):
        return pl.BlockSpec(shape, lambda i: tuple(0 for _ in shape))

    rows = lambda w: pl.BlockSpec((BR, w), lambda i: (i, 0))
    parts = lambda w: pl.BlockSpec((NC, BR, w), lambda i: (0, i, 0))

    aggk = _agg_kernel(np_, cnt0, cnt1, 128)
    ones128 = jnp.ones((CHD, 128), jnp.float32)
    dp = _deg_kernel(np_, nchd)(dstd, ones128, zh)

    disb = pl.pallas_call(
        _disb_body,
        grid=grid,
        in_specs=[parts(128)],
        out_specs=rows(128),
        out_shape=jax.ShapeDtypeStruct((np_, 128), f32),
    )(dp)

    h1, p2a, skp = pl.pallas_call(
        _mm1_body,
        grid=grid,
        in_specs=[rows(d), full((d, hdim)), full((d, c2)), full((d, c2)),
                  full((1, c2))],
        out_specs=[rows(hdim), rows(c2), rows(c2)],
        out_shape=[jax.ShapeDtypeStruct((np_, hdim), f32),
                   jax.ShapeDtypeStruct((np_, c2), f32),
                   jax.ShapeDtypeStruct((np_, c2), f32)],
    )(x_pad, W1, W2a, Wsk, b2r)

    hs1, sb1 = pl.pallas_call(
        _scale_body,
        grid=grid,
        in_specs=[rows(128), rows(hdim), full((1, hdim))],
        out_specs=[rows(hdim), rows(hdim)],
        out_shape=[jax.ShapeDtypeStruct((np_, hdim), f32),
                   jax.ShapeDtypeStruct((np_, hdim), f32)],
    )(disb, h1, b1r)

    a1 = aggk(hs1, src4, dst4, zh)

    hs2, base = pl.pallas_call(
        _mid_body,
        grid=grid,
        in_specs=[rows(128), parts(hdim), rows(hdim), rows(c2), rows(c2),
                  full((hdim, c2))],
        out_specs=[rows(c2), rows(c2)],
        out_shape=[jax.ShapeDtypeStruct((np_, c2), f32),
                   jax.ShapeDtypeStruct((np_, c2), f32)],
    )(disb, a1, sb1, p2a, skp, W2b)

    a2 = aggk(hs2, src4, dst4, zh)

    out = pl.pallas_call(
        _fin_body,
        grid=grid,
        in_specs=[rows(128), parts(c2), rows(c2)],
        out_specs=rows(c2),
        out_shape=jax.ShapeDtypeStruct((np_, c2), f32),
    )(disb, a2, base)

    return out[:n, :ncls]

# --- scband reference (transcript-rebuilt; emitter-appended) ---
"""Pipeline reference for scband-skip-gcn-15556371546755 (READ-ONLY COPY).

The authoritative reference and input builder live on the scoring server;
editing this copy changes nothing except your own understanding.
"""

import jax, jax.numpy as jnp
import numpy as np

N_NODES = 10000
N_EDGES = 320000
D_FEAT = 128
HIDDEN = 128
N_CLASSES = 64


def gcn_conv(x, edge_index, W, b):
    # PyG-style GCNConv: add self-loops, symmetric normalization, then propagate.
    N = x.shape[0]
    loop = jnp.arange(N, dtype=edge_index.dtype)
    src = jnp.concatenate([edge_index[0], loop])
    dst = jnp.concatenate([edge_index[1], loop])
    deg = jnp.zeros((N,), dtype=x.dtype).at[dst].add(1.0)
    deg_inv_sqrt = jnp.where(deg > 0, deg ** -0.5, 0.0)
    norm = deg_inv_sqrt[src] * deg_inv_sqrt[dst]
    h = x @ W
    msg = h[src] * norm[:, None]
    out = jnp.zeros((N, W.shape[1]), dtype=x.dtype).at[dst].add(msg)
    return out + b


def setup_inputs(seed: int = 0) -> dict:
    key = jax.random.key(seed)
    k_x, k_e, k_w1, k_w2, k_ws = jax.random.split(key, 5)
    x = jax.random.normal(k_x, (N_NODES, D_FEAT), dtype=jnp.float32)
    edge_index = jax.random.randint(k_e, (2, N_EDGES), 0, N_NODES, dtype=jnp.int64)
    # Glorot-style initialized weights
    W1 = jax.random.normal(k_w1, (D_FEAT, HIDDEN), dtype=jnp.float32) * (2.0 / (D_FEAT + HIDDEN)) ** 0.5
    b1 = jnp.zeros((HIDDEN,), dtype=jnp.float32)
    W2 = jax.random.normal(k_w2, (HIDDEN + D_FEAT, N_CLASSES), dtype=jnp.float32) * (2.0 / (HIDDEN + D_FEAT + N_CLASSES)) ** 0.5
    b2 = jnp.zeros((N_CLASSES,), dtype=jnp.float32)
    W_skip = jax.random.normal(k_ws, (D_FEAT, N_CLASSES), dtype=jnp.float32) * (2.0 / (D_FEAT + N_CLASSES)) ** 0.5
    return {"x": x, "edge_index": edge_index, "W1": W1, "b1": b1, "W2": W2, "b2": b2, "W_skip": W_skip}


def reference(x, edge_index, W1, b1, W2, b2, W_skip):
    # SkipGCN.forward with training=False, return_embeddings=False
    h = gcn_conv(x, edge_index, W1, b1)
    x1 = jax.nn.relu(h)
    x2 = jnp.concatenate([x, x1], axis=-1)
    x2 = gcn_conv(x2, edge_index, W2, b2)
    x2 = x2 + x @ W_skip
    return x2

if __name__ == "__main__":
    import jax
    _d = setup_inputs()
    print(jax.jit(kernel)(*tuple(_d.values())))

</pallas_src>

<mosaic_0001>
#map = affine_map<(d0, d1) -> (0, 0, 0)>
#map1 = affine_map<(d0, d1) -> (0, 0)>
module attributes {stable_mosaic.version = 14 : i64} {
  func.func @deg_kernel(%arg0: i32, %arg1: i32, %arg2: memref<32x80x128xi32, #tpu.memory_space<hbm>>, %arg3: memref<128x128xf32, #tpu.memory_space<hbm>>, %arg4: memref<10112x128xf32, #tpu.memory_space<hbm>>, %arg5: memref<2x10112x128xf32, #tpu.memory_space<hbm>>, %arg6: memref<80x128xi32, #tpu.memory_space<vmem>>, %arg7: memref<128x128xf32, #tpu.memory_space<vmem>>, %arg8: memref<10112x128xf32, #tpu.memory_space<vmem_shared>>, %arg9: memref<!tpu.dma_semaphore, #tpu.memory_space<semaphore_mem>>) attributes {dimension_semantics = [#tpu.dimension_semantics<core_parallel>, #tpu.dimension_semantics<subcore_parallel>], iteration_bounds = array<i64: 2, 16>, scalar_prefetch = 0 : i64, scratch_operands = 4 : i64, tpu.core_type = #tpu.core_type<sc_vector_subcore>, window_params = [{transform_indices = #map}, {transform_indices = #map1}, {transform_indices = #map1}, {transform_indices = #map}]} {
    %mul3A = arith.constant 2 : i32
    %mul3A_0 = arith.muli %arg1, %mul3A : i32
    %add3A = arith.addi %mul3A_0, %arg0 : i32
    %mul3A_1 = arith.constant 632 : i32
    %mul3A_2 = arith.muli %arg1, %mul3A_1 : i32
    "tpu.region"() ({
      %run_scoped3A = tpu.sem_alloc : memref<!tpu.dma_semaphore, #tpu.memory_space<semaphore_mem>>
      %dma_start3A_63 = arith.constant 0 : i32
      %dma_start3A_64 = tpu.memref_slice %arg8[%mul3A_2, %dma_start3A_63] : memref<10112x128xf32, #tpu.memory_space<vmem_shared>> -> memref<632x128xf32, #tpu.memory_space<vmem_shared>>
      %dma_start3A_65 = arith.constant 0 : i32
      %dma_start3A_66 = tpu.memref_slice %arg4[%mul3A_2, %dma_start3A_65] : memref<10112x128xf32, #tpu.memory_space<hbm>> -> memref<632x128xf32, #tpu.memory_space<hbm>>
      tpu.enqueue_dma source(%dma_start3A_66 : memref<632x128xf32, #tpu.memory_space<hbm>>) target(%dma_start3A_64 : memref<632x128xf32, #tpu.memory_space<vmem_shared>>) target_semaphore(%run_scoped3A : memref<!tpu.dma_semaphore, #tpu.memory_space<semaphore_mem>>)
      %dma_wait3A_67 = arith.constant 0 : i32
      %dma_wait3A_68 = tpu.memref_slice %arg8[%mul3A_2, %dma_wait3A_67] : memref<10112x128xf32, #tpu.memory_space<vmem_shared>> -> memref<632x128xf32, #tpu.memory_space<vmem_shared>>
      %dma_wait3A_69 = arith.constant 0 : i32
      %dma_wait3A_70 = tpu.memref_slice %arg4[%mul3A_2, %dma_wait3A_69] : memref<10112x128xf32, #tpu.memory_space<hbm>> -> memref<632x128xf32, #tpu.memory_space<hbm>>
      tpu.wait_dma2 semaphore(%run_scoped3A : memref<!tpu.dma_semaphore, #tpu.memory_space<semaphore_mem>>) src(%dma_wait3A_70 : memref<632x128xf32, #tpu.memory_space<hbm>>) dst(%dma_wait3A_68 : memref<632x128xf32, #tpu.memory_space<vmem_shared>>)
      tpu.yield
    }) : () -> ()
    "tpu.region"() ({
      %run_scoped3A = tpu.sem_alloc : memref<!tpu.dma_semaphore, #tpu.memory_space<semaphore_mem>>
      %dma_start3A_63 = arith.constant 0 : i32
      %dma_start3A_64 = arith.constant 0 : i32
      %dma_start3A_65 = tpu.memref_slice %arg2[%add3A, %dma_start3A_63, %dma_start3A_64] : memref<32x80x128xi32, #tpu.memory_space<hbm>> -> memref<1x80x128xi32, #tpu.memory_space<hbm>>
      %dma_start3A_66 = tpu.memref_squeeze %dma_start3A_65 : memref<1x80x128xi32, #tpu.memory_space<hbm>> -> memref<80x128xi32, #tpu.memory_space<hbm>>
      %dma_start3A_67 = arith.constant 0 : i32
      %dma_start3A_68 = arith.constant 0 : i32
      %dma_start3A_69 = tpu.memref_slice %arg2[%add3A, %dma_start3A_67, %dma_start3A_68] : memref<32x80x128xi32, #tpu.memory_space<hbm>> -> memref<1x80x128xi32, #tpu.memory_space<hbm>>
      %dma_start3A_70 = tpu.memref_squeeze %dma_start3A_69 : memref<1x80x128xi32, #tpu.memory_space<hbm>> -> memref<80x128xi32, #tpu.memory_space<hbm>>
      tpu.enqueue_dma source(%dma_start3A_70 : memref<80x128xi32, #tpu.memory_space<hbm>>) target(%arg6 : memref<80x128xi32, #tpu.memory_space<vmem>>) target_semaphore(%run_scoped3A : memref<!tpu.dma_semaphore, #tpu.memory_space<semaphore_mem>>)
      %dma_wait3A_71 = arith.constant 0 : i32
      %dma_wait3A_72 = arith.constant 0 : i32
      %dma_wait3A_73 = tpu.memref_slice %arg2[%add3A, %dma_wait3A_71, %dma_wait3A_72] : memref<32x80x128xi32, #tpu.memory_space<hbm>> -> memref<1x80x128xi32, #tpu.memory_space<hbm>>
      %dma_wait3A_74 = tpu.memref_squeeze %dma_wait3A_73 : memref<1x80x128xi32, #tpu.memory_space<hbm>> -> memref<80x128xi32, #tpu.memory_space<hbm>>
      %dma_wait3A_75 = arith.constant 0 : i32
      %dma_wait3A_76 = arith.constant 0 : i32
      %dma_wait3A_77 = tpu.memref_slice %arg2[%add3A, %dma_wait3A_75, %dma_wait3A_76] : memref<32x80x128xi32, #tpu.memory_space<hbm>> -> memref<1x80x128xi32, #tpu.memory_space<hbm>>
      %dma_wait3A_78 = tpu.memref_squeeze %dma_wait3A_77 : memref<1x80x128xi32, #tpu.memory_space<hbm>> -> memref<80x128xi32, #tpu.memory_space<hbm>>
      tpu.wait_dma2 semaphore(%run_scoped3A : memref<!tpu.dma_semaphore, #tpu.memory_space<semaphore_mem>>) src(%dma_wait3A_78 : memref<80x128xi32, #tpu.memory_space<hbm>>) dst(%arg6 : memref<80x128xi32, #tpu.memory_space<vmem>>)
      tpu.yield
    }) : () -> ()
    "tpu.region"() ({
      %run_scoped3A = tpu.sem_alloc : memref<!tpu.dma_semaphore, #tpu.memory_space<semaphore_mem>>
      tpu.enqueue_dma source(%arg3 : memref<128x128xf32, #tpu.memory_space<hbm>>) target(%arg7 : memref<128x128xf32, #tpu.memory_space<vmem>>) target_semaphore(%run_scoped3A : memref<!tpu.dma_semaphore, #tpu.memory_space<semaphore_mem>>)
      tpu.wait_dma2 semaphore(%run_scoped3A : memref<!tpu.dma_semaphore, #tpu.memory_space<semaphore_mem>>) src(%arg3 : memref<128x128xf32, #tpu.memory_space<hbm>>) dst(%arg7 : memref<128x128xf32, #tpu.memory_space<vmem>>)
      tpu.yield
    }) : () -> ()
    %barrier3A = arith.constant 0 : index
    tpu.barrier barrier_id(%barrier3A)
    %dma_start3A = arith.constant 0 : i32
    %dma_start3A_3 = arith.constant 0 : i32
    %dma_start3A_4 = tpu.memref_slice %arg6[%dma_start3A, %dma_start3A_3] : memref<80x128xi32, #tpu.memory_space<vmem>> -> memref<1x128xi32, #tpu.memory_space<vmem>>
    %dma_start3A_5 = tpu.memref_squeeze %dma_start3A_4 : memref<1x128xi32, #tpu.memory_space<vmem>> -> memref<128xi32, #tpu.memory_space<vmem>>
    %dma_start3A_6 = arith.constant 0 : i32
    %dma_start3A_7 = arith.constant 0 : i32
    %dma_start3A_8 = tpu.memref_slice %arg8[%dma_start3A_6, %dma_start3A_7] : memref<10112x128xf32, #tpu.memory_space<vmem_shared>> -> memref<10112x128xf32, #tpu.memory_space<vmem_shared>>
    tpu.enqueue_indirect_dma source(%arg7 : memref<128x128xf32, #tpu.memory_space<vmem>>) target(%dma_start3A_8 : memref<10112x128xf32, #tpu.memory_space<vmem_shared>>) offsets(%dma_start3A_5 : memref<128xi32, #tpu.memory_space<vmem>>) semaphore(%arg9 : memref<!tpu.dma_semaphore, #tpu.memory_space<semaphore_mem>>) {add = true}
    %dma_start3A_9 = arith.constant 1 : i32
    %dma_start3A_10 = arith.constant 0 : i32
    %dma_start3A_11 = tpu.memref_slice %arg6[%dma_start3A_9, %dma_start3A_10] : memref<80x128xi32, #tpu.memory_space<vmem>> -> memref<1x128xi32, #tpu.memory_space<vmem>>
    %dma_start3A_12 = tpu.memref_squeeze %dma_start3A_11 : memref<1x128xi32, #tpu.memory_space<vmem>> -> memref<128xi32, #tpu.memory_space<vmem>>
    %dma_start3A_13 = arith.constant 0 : i32
    %dma_start3A_14 = arith.constant 0 : i32
    %dma_start3A_15 = tpu.memref_slice %arg8[%dma_start3A_13, %dma_start3A_14] : memref<10112x128xf32, #tpu.memory_space<vmem_shared>> -> memref<10112x128xf32, #tpu.memory_space<vmem_shared>>
    tpu.enqueue_indirect_dma source(%arg7 : memref<128x128xf32, #tpu.memory_space<vmem>>) target(%dma_start3A_15 : memref<10112x128xf32, #tpu.memory_space<vmem_shared>>) offsets(%dma_start3A_12 : memref<128xi32, #tpu.memory_space<vmem>>) semaphore(%arg9 : memref<!tpu.dma_semaphore, #tpu.memory_space<semaphore_mem>>) {add = true}
    %dma_start3A_16 = arith.constant 2 : i32
    %dma_start3A_17 = arith.constant 0 : i32
    %dma_start3A_18 = tpu.memref_slice %arg6[%dma_start3A_16, %dma_start3A_17] : memref<80x128xi32, #tpu.memory_space<vmem>> -> memref<1x128xi32, #tpu.memory_space<vmem>>
    %dma_start3A_19 = tpu.memref_squeeze %dma_start3A_18 : memref<1x128xi32, #tpu.memory_space<vmem>> -> memref<128xi32, #tpu.memory_space<vmem>>
    %dma_start3A_20 = arith.constant 0 : i32
    %dma_start3A_21 = arith.constant 0 : i32
    %dma_start3A_22 = tpu.memref_slice %arg8[%dma_start3A_20, %dma_start3A_21] : memref<10112x128xf32, #tpu.memory_space<vmem_shared>> -> memref<10112x128xf32, #tpu.memory_space<vmem_shared>>
    tpu.enqueue_indirect_dma source(%arg7 : memref<128x128xf32, #tpu.memory_space<vmem>>) target(%dma_start3A_22 : memref<10112x128xf32, #tpu.memory_space<vmem_shared>>) offsets(%dma_start3A_19 : memref<128xi32, #tpu.memory_space<vmem>>) semaphore(%arg9 : memref<!tpu.dma_semaphore, #tpu.memory_space<semaphore_mem>>) {add = true}
    %dma_start3A_23 = arith.constant 3 : i32
    %dma_start3A_24 = arith.constant 0 : i32
    %dma_start3A_25 = tpu.memref_slice %arg6[%dma_start3A_23, %dma_start3A_24] : memref<80x128xi32, #tpu.memory_space<vmem>> -> memref<1x128xi32, #tpu.memory_space<vmem>>
    %dma_start3A_26 = tpu.memref_squeeze %dma_start3A_25 : memref<1x128xi32, #tpu.memory_space<vmem>> -> memref<128xi32, #tpu.memory_space<vmem>>
    %dma_start3A_27 = arith.constant 0 : i32
    %dma_start3A_28 = arith.constant 0 : i32
    %dma_start3A_29 = tpu.memref_slice %arg8[%dma_start3A_27, %dma_start3A_28] : memref<10112x128xf32, #tpu.memory_space<vmem_shared>> -> memref<10112x128xf32, #tpu.memory_space<vmem_shared>>
    tpu.enqueue_indirect_dma source(%arg7 : memref<128x128xf32, #tpu.memory_space<vmem>>) target(%dma_start3A_29 : memref<10112x128xf32, #tpu.memory_space<vmem_shared>>) offsets(%dma_start3A_26 : memref<128xi32, #tpu.memory_space<vmem>>) semaphore(%arg9 : memref<!tpu.dma_semaphore, #tpu.memory_space<semaphore_mem>>) {add = true}
    %scan3A = arith.constant 0 : i32
    %scan3A_30 = arith.constant 1 : i32
    %scan3A_31 = arith.constant 19 : i32
    %scan3A_32 = arith.addi %scan3A_30, %scan3A_31 : i32
    %scan3A_33 = arith.constant 1 : i32
    scf.for %scan3A_63 = %scan3A_30 to %scan3A_32 step %scan3A_33  : i32 {
      %mul3A_64 = arith.constant 4 : i32
      %mul3A_65 = arith.muli %scan3A_63, %mul3A_64 : i32
      %add3A_66 = arith.constant 0 : i32
      %add3A_67 = arith.addi %mul3A_65, %add3A_66 : i32
      %dma_start3A_68 = arith.constant 0 : i32
      %dma_start3A_69 = tpu.memref_slice %arg6[%add3A_67, %dma_start3A_68] : memref<80x128xi32, #tpu.memory_space<vmem>> -> memref<1x128xi32, #tpu.memory_space<vmem>>
      %dma_start3A_70 = tpu.memref_squeeze %dma_start3A_69 : memref<1x128xi32, #tpu.memory_space<vmem>> -> memref<128xi32, #tpu.memory_space<vmem>>
      %dma_start3A_71 = arith.constant 0 : i32
      %dma_start3A_72 = arith.constant 0 : i32
      %dma_start3A_73 = tpu.memref_slice %arg8[%dma_start3A_71, %dma_start3A_72] : memref<10112x128xf32, #tpu.memory_space<vmem_shared>> -> memref<10112x128xf32, #tpu.memory_space<vmem_shared>>
      tpu.enqueue_indirect_dma source(%arg7 : memref<128x128xf32, #tpu.memory_space<vmem>>) target(%dma_start3A_73 : memref<10112x128xf32, #tpu.memory_space<vmem_shared>>) offsets(%dma_start3A_70 : memref<128xi32, #tpu.memory_space<vmem>>) semaphore(%arg9 : memref<!tpu.dma_semaphore, #tpu.memory_space<semaphore_mem>>) {add = true}
      %mul3A_74 = arith.constant 4 : i32
      %mul3A_75 = arith.muli %scan3A_63, %mul3A_74 : i32
      %add3A_76 = arith.constant 1 : i32
      %add3A_77 = arith.addi %mul3A_75, %add3A_76 : i32
      %dma_start3A_78 = arith.constant 0 : i32
      %dma_start3A_79 = tpu.memref_slice %arg6[%add3A_77, %dma_start3A_78] : memref<80x128xi32, #tpu.memory_space<vmem>> -> memref<1x128xi32, #tpu.memory_space<vmem>>
      %dma_start3A_80 = tpu.memref_squeeze %dma_start3A_79 : memref<1x128xi32, #tpu.memory_space<vmem>> -> memref<128xi32, #tpu.memory_space<vmem>>
      %dma_start3A_81 = arith.constant 0 : i32
      %dma_start3A_82 = arith.constant 0 : i32
      %dma_start3A_83 = tpu.memref_slice %arg8[%dma_start3A_81, %dma_start3A_82] : memref<10112x128xf32, #tpu.memory_space<vmem_shared>> -> memref<10112x128xf32, #tpu.memory_space<vmem_shared>>
      tpu.enqueue_indirect_dma source(%arg7 : memref<128x128xf32, #tpu.memory_space<vmem>>) target(%dma_start3A_83 : memref<10112x128xf32, #tpu.memory_space<vmem_shared>>) offsets(%dma_start3A_80 : memref<128xi32, #tpu.memory_space<vmem>>) semaphore(%arg9 : memref<!tpu.dma_semaphore, #tpu.memory_space<semaphore_mem>>) {add = true}
      %mul3A_84 = arith.constant 4 : i32
      %mul3A_85 = arith.muli %scan3A_63, %mul3A_84 : i32
      %add3A_86 = arith.constant 2 : i32
      %add3A_87 = arith.addi %mul3A_85, %add3A_86 : i32
      %dma_start3A_88 = arith.constant 0 : i32
      %dma_start3A_89 = tpu.memref_slice %arg6[%add3A_87, %dma_start3A_88] : memref<80x128xi32, #tpu.memory_space<vmem>> -> memref<1x128xi32, #tpu.memory_space<vmem>>
      %dma_start3A_90 = tpu.memref_squeeze %dma_start3A_89 : memref<1x128xi32, #tpu.memory_space<vmem>> -> memref<128xi32, #tpu.memory_space<vmem>>
      %dma_start3A_91 = arith.constant 0 : i32
      %dma_start3A_92 = arith.constant 0 : i32
      %dma_start3A_93 = tpu.memref_slice %arg8[%dma_start3A_91, %dma_start3A_92] : memref<10112x128xf32, #tpu.memory_space<vmem_shared>> -> memref<10112x128xf32, #tpu.memory_space<vmem_shared>>
      tpu.enqueue_indirect_dma source(%arg7 : memref<128x128xf32, #tpu.memory_space<vmem>>) target(%dma_start3A_93 : memref<10112x128xf32, #tpu.memory_space<vmem_shared>>) offsets(%dma_start3A_90 : memref<128xi32, #tpu.memory_space<vmem>>) semaphore(%arg9 : memref<!tpu.dma_semaphore, #tpu.memory_space<semaphore_mem>>) {add = true}
      %mul3A_94 = arith.constant 4 : i32
      %mul3A_95 = arith.muli %scan3A_63, %mul3A_94 : i32
      %add3A_96 = arith.constant 3 : i32
      %add3A_97 = arith.addi %mul3A_95, %add3A_96 : i32
      %dma_start3A_98 = arith.constant 0 : i32
      %dma_start3A_99 = tpu.memref_slice %arg6[%add3A_97, %dma_start3A_98] : memref<80x128xi32, #tpu.memory_space<vmem>> -> memref<1x128xi32, #tpu.memory_space<vmem>>
      %dma_start3A_100 = tpu.memref_squeeze %dma_start3A_99 : memref<1x128xi32, #tpu.memory_space<vmem>> -> memref<128xi32, #tpu.memory_space<vmem>>
      %dma_start3A_101 = arith.constant 0 : i32
      %dma_start3A_102 = arith.constant 0 : i32
      %dma_start3A_103 = tpu.memref_slice %arg8[%dma_start3A_101, %dma_start3A_102] : memref<10112x128xf32, #tpu.memory_space<vmem_shared>> -> memref<10112x128xf32, #tpu.memory_space<vmem_shared>>
      tpu.enqueue_indirect_dma source(%arg7 : memref<128x128xf32, #tpu.memory_space<vmem>>) target(%dma_start3A_103 : memref<10112x128xf32, #tpu.memory_space<vmem_shared>>) offsets(%dma_start3A_100 : memref<128xi32, #tpu.memory_space<vmem>>) semaphore(%arg9 : memref<!tpu.dma_semaphore, #tpu.memory_space<semaphore_mem>>) {add = true}
      %sub3A = arith.constant 1 : i32
      %sub3A_104 = arith.subi %scan3A_63, %sub3A : i32
      %mul3A_105 = arith.constant 4 : i32
      %mul3A_106 = arith.muli %sub3A_104, %mul3A_105 : i32
      %add3A_107 = arith.constant 0 : i32
      %add3A_108 = arith.addi %mul3A_106, %add3A_107 : i32
      %dma_wait3A_109 = arith.constant 0 : i32
      %dma_wait3A_110 = tpu.memref_slice %arg6[%add3A_108, %dma_wait3A_109] : memref<80x128xi32, #tpu.memory_space<vmem>> -> memref<1x128xi32, #tpu.memory_space<vmem>>
      %dma_wait3A_111 = tpu.memref_squeeze %dma_wait3A_110 : memref<1x128xi32, #tpu.memory_space<vmem>> -> memref<128xi32, #tpu.memory_space<vmem>>
      %dma_wait3A_112 = arith.constant 0 : i32
      %dma_wait3A_113 = arith.constant 0 : i32
      %dma_wait3A_114 = tpu.memref_slice %arg8[%dma_wait3A_112, %dma_wait3A_113] : memref<10112x128xf32, #tpu.memory_space<vmem_shared>> -> memref<10112x128xf32, #tpu.memory_space<vmem_shared>>
      tpu.wait_indirect_dma semaphore(%arg9 : memref<!tpu.dma_semaphore, #tpu.memory_space<semaphore_mem>>) src(%arg7 : memref<128x128xf32, #tpu.memory_space<vmem>>) dst(%dma_wait3A_114 : memref<10112x128xf32, #tpu.memory_space<vmem_shared>>)
      %sub3A_115 = arith.constant 1 : i32
      %sub3A_116 = arith.subi %scan3A_63, %sub3A_115 : i32
      %mul3A_117 = arith.constant 4 : i32
      %mul3A_118 = arith.muli %sub3A_116, %mul3A_117 : i32
      %add3A_119 = arith.constant 1 : i32
      %add3A_120 = arith.addi %mul3A_118, %add3A_119 : i32
      %dma_wait3A_121 = arith.constant 0 : i32
      %dma_wait3A_122 = tpu.memref_slice %arg6[%add3A_120, %dma_wait3A_121] : memref<80x128xi32, #tpu.memory_space<vmem>> -> memref<1x128xi32, #tpu.memory_space<vmem>>
      %dma_wait3A_123 = tpu.memref_squeeze %dma_wait3A_122 : memref<1x128xi32, #tpu.memory_space<vmem>> -> memref<128xi32, #tpu.memory_space<vmem>>
      %dma_wait3A_124 = arith.constant 0 : i32
      %dma_wait3A_125 = arith.constant 0 : i32
      %dma_wait3A_126 = tpu.memref_slice %arg8[%dma_wait3A_124, %dma_wait3A_125] : memref<10112x128xf32, #tpu.memory_space<vmem_shared>> -> memref<10112x128xf32, #tpu.memory_space<vmem_shared>>
      tpu.wait_indirect_dma semaphore(%arg9 : memref<!tpu.dma_semaphore, #tpu.memory_space<semaphore_mem>>) src(%arg7 : memref<128x128xf32, #tpu.memory_space<vmem>>) dst(%dma_wait3A_126 : memref<10112x128xf32, #tpu.memory_space<vmem_shared>>)
      %sub3A_127 = arith.constant 1 : i32
      %sub3A_128 = arith.subi %scan3A_63, %sub3A_127 : i32
      %mul3A_129 = arith.constant 4 : i32
      %mul3A_130 = arith.muli %sub3A_128, %mul3A_129 : i32
      %add3A_131 = arith.constant 2 : i32
      %add3A_132 = arith.addi %mul3A_130, %add3A_131 : i32
      %dma_wait3A_133 = arith.constant 0 : i32
      %dma_wait3A_134 = tpu.memref_slice %arg6[%add3A_132, %dma_wait3A_133] : memref<80x128xi32, #tpu.memory_space<vmem>> -> memref<1x128xi32, #tpu.memory_space<vmem>>
      %dma_wait3A_135 = tpu.memref_squeeze %dma_wait3A_134 : memref<1x128xi32, #tpu.memory_space<vmem>> -> memref<128xi32, #tpu.memory_space<vmem>>
      %dma_wait3A_136 = arith.constant 0 : i32
      %dma_wait3A_137 = arith.constant 0 : i32
      %dma_wait3A_138 = tpu.memref_slice %arg8[%dma_wait3A_136, %dma_wait3A_137] : memref<10112x128xf32, #tpu.memory_space<vmem_shared>> -> memref<10112x128xf32, #tpu.memory_space<vmem_shared>>
      tpu.wait_indirect_dma semaphore(%arg9 : memref<!tpu.dma_semaphore, #tpu.memory_space<semaphore_mem>>) src(%arg7 : memref<128x128xf32, #tpu.memory_space<vmem>>) dst(%dma_wait3A_138 : memref<10112x128xf32, #tpu.memory_space<vmem_shared>>)
      %sub3A_139 = arith.constant 1 : i32
      %sub3A_140 = arith.subi %scan3A_63, %sub3A_139 : i32
      %mul3A_141 = arith.constant 4 : i32
      %mul3A_142 = arith.muli %sub3A_140, %mul3A_141 : i32
      %add3A_143 = arith.constant 3 : i32
      %add3A_144 = arith.addi %mul3A_142, %add3A_143 : i32
      %dma_wait3A_145 = arith.constant 0 : i32
      %dma_wait3A_146 = tpu.memref_slice %arg6[%add3A_144, %dma_wait3A_145] : memref<80x128xi32, #tpu.memory_space<vmem>> -> memref<1x128xi32, #tpu.memory_space<vmem>>
      %dma_wait3A_147 = tpu.memref_squeeze %dma_wait3A_146 : memref<1x128xi32, #tpu.memory_space<vmem>> -> memref<128xi32, #tpu.memory_space<vmem>>
      %dma_wait3A_148 = arith.constant 0 : i32
      %dma_wait3A_149 = arith.constant 0 : i32
      %dma_wait3A_150 = tpu.memref_slice %arg8[%dma_wait3A_148, %dma_wait3A_149] : memref<10112x128xf32, #tpu.memory_space<vmem_shared>> -> memref<10112x128xf32, #tpu.memory_space<vmem_shared>>
      tpu.wait_indirect_dma semaphore(%arg9 : memref<!tpu.dma_semaphore, #tpu.memory_space<semaphore_mem>>) src(%arg7 : memref<128x128xf32, #tpu.memory_space<vmem>>) dst(%dma_wait3A_150 : memref<10112x128xf32, #tpu.memory_space<vmem_shared>>)
    }
    %scan3A_34 = arith.constant 19 : i32
    %dma_wait3A = arith.constant 76 : i32
    %dma_wait3A_35 = arith.constant 0 : i32
    %dma_wait3A_36 = tpu.memref_slice %arg6[%dma_wait3A, %dma_wait3A_35] : memref<80x128xi32, #tpu.memory_space<vmem>> -> memref<1x128xi32, #tpu.memory_space<vmem>>
    %dma_wait3A_37 = tpu.memref_squeeze %dma_wait3A_36 : memref<1x128xi32, #tpu.memory_space<vmem>> -> memref<128xi32, #tpu.memory_space<vmem>>
    %dma_wait3A_38 = arith.constant 0 : i32
    %dma_wait3A_39 = arith.constant 0 : i32
    %dma_wait3A_40 = tpu.memref_slice %arg8[%dma_wait3A_38, %dma_wait3A_39] : memref<10112x128xf32, #tpu.memory_space<vmem_shared>> -> memref<10112x128xf32, #tpu.memory_space<vmem_shared>>
    tpu.wait_indirect_dma semaphore(%arg9 : memref<!tpu.dma_semaphore, #tpu.memory_space<semaphore_mem>>) src(%arg7 : memref<128x128xf32, #tpu.memory_space<vmem>>) dst(%dma_wait3A_40 : memref<10112x128xf32, #tpu.memory_space<vmem_shared>>)
    %dma_wait3A_41 = arith.constant 77 : i32
    %dma_wait3A_42 = arith.constant 0 : i32
    %dma_wait3A_43 = tpu.memref_slice %arg6[%dma_wait3A_41, %dma_wait3A_42] : memref<80x128xi32, #tpu.memory_space<vmem>> -> memref<1x128xi32, #tpu.memory_space<vmem>>
    %dma_wait3A_44 = tpu.memref_squeeze %dma_wait3A_43 : memref<1x128xi32, #tpu.memory_space<vmem>> -> memref<128xi32, #tpu.memory_space<vmem>>
    %dma_wait3A_45 = arith.constant 0 : i32
    %dma_wait3A_46 = arith.constant 0 : i32
    %dma_wait3A_47 = tpu.memref_slice %arg8[%dma_wait3A_45, %dma_wait3A_46] : memref<10112x128xf32, #tpu.memory_space<vmem_shared>> -> memref<10112x128xf32, #tpu.memory_space<vmem_shared>>
    tpu.wait_indirect_dma semaphore(%arg9 : memref<!tpu.dma_semaphore, #tpu.memory_space<semaphore_mem>>) src(%arg7 : memref<128x128xf32, #tpu.memory_space<vmem>>) dst(%dma_wait3A_47 : memref<10112x128xf32, #tpu.memory_space<vmem_shared>>)
    %dma_wait3A_48 = arith.constant 78 : i32
    %dma_wait3A_49 = arith.constant 0 : i32
    %dma_wait3A_50 = tpu.memref_slice %arg6[%dma_wait3A_48, %dma_wait3A_49] : memref<80x128xi32, #tpu.memory_space<vmem>> -> memref<1x128xi32, #tpu.memory_space<vmem>>
    %dma_wait3A_51 = tpu.memref_squeeze %dma_wait3A_50 : memref<1x128xi32, #tpu.memory_space<vmem>> -> memref<128xi32, #tpu.memory_space<vmem>>
    %dma_wait3A_52 = arith.constant 0 : i32
    %dma_wait3A_53 = arith.constant 0 : i32
    %dma_wait3A_54 = tpu.memref_slice %arg8[%dma_wait3A_52, %dma_wait3A_53] : memref<10112x128xf32, #tpu.memory_space<vmem_shared>> -> memref<10112x128xf32, #tpu.memory_space<vmem_shared>>
    tpu.wait_indirect_dma semaphore(%arg9 : memref<!tpu.dma_semaphore, #tpu.memory_space<semaphore_mem>>) src(%arg7 : memref<128x128xf32, #tpu.memory_space<vmem>>) dst(%dma_wait3A_54 : memref<10112x128xf32, #tpu.memory_space<vmem_shared>>)
    %dma_wait3A_55 = arith.constant 79 : i32
    %dma_wait3A_56 = arith.constant 0 : i32
    %dma_wait3A_57 = tpu.memref_slice %arg6[%dma_wait3A_55, %dma_wait3A_56] : memref<80x128xi32, #tpu.memory_space<vmem>> -> memref<1x128xi32, #tpu.memory_space<vmem>>
    %dma_wait3A_58 = tpu.memref_squeeze %dma_wait3A_57 : memref<1x128xi32, #tpu.memory_space<vmem>> -> memref<128xi32, #tpu.memory_space<vmem>>
    %dma_wait3A_59 = arith.constant 0 : i32
    %dma_wait3A_60 = arith.constant 0 : i32
    %dma_wait3A_61 = tpu.memref_slice %arg8[%dma_wait3A_59, %dma_wait3A_60] : memref<10112x128xf32, #tpu.memory_space<vmem_shared>> -> memref<10112x128xf32, #tpu.memory_space<vmem_shared>>
    tpu.wait_indirect_dma semaphore(%arg9 : memref<!tpu.dma_semaphore, #tpu.memory_space<semaphore_mem>>) src(%arg7 : memref<128x128xf32, #tpu.memory_space<vmem>>) dst(%dma_wait3A_61 : memref<10112x128xf32, #tpu.memory_space<vmem_shared>>)
    %barrier3A_62 = arith.constant 0 : index
    tpu.barrier barrier_id(%barrier3A_62)
    "tpu.region"() ({
      %run_scoped3A = tpu.sem_alloc : memref<!tpu.dma_semaphore, #tpu.memory_space<semaphore_mem>>
      %dma_start3A_63 = arith.constant 0 : i32
      %dma_start3A_64 = tpu.memref_slice %arg5[%arg0, %mul3A_2, %dma_start3A_63] : memref<2x10112x128xf32, #tpu.memory_space<hbm>> -> memref<1x632x128xf32, #tpu.memory_space<hbm>>
      %dma_start3A_65 = tpu.memref_squeeze %dma_start3A_64 : memref<1x632x128xf32, #tpu.memory_space<hbm>> -> memref<632x128xf32, #tpu.memory_space<hbm>>
      %dma_start3A_66 = arith.constant 0 : i32
      %dma_start3A_67 = tpu.memref_slice %arg8[%mul3A_2, %dma_start3A_66] : memref<10112x128xf32, #tpu.memory_space<vmem_shared>> -> memref<632x128xf32, #tpu.memory_space<vmem_shared>>
      tpu.enqueue_dma source(%dma_start3A_67 : memref<632x128xf32, #tpu.memory_space<vmem_shared>>) target(%dma_start3A_65 : memref<632x128xf32, #tpu.memory_space<hbm>>) target_semaphore(%run_scoped3A : memref<!tpu.dma_semaphore, #tpu.memory_space<semaphore_mem>>)
      %dma_wait3A_68 = arith.constant 0 : i32
      %dma_wait3A_69 = tpu.memref_slice %arg5[%arg0, %mul3A_2, %dma_wait3A_68] : memref<2x10112x128xf32, #tpu.memory_space<hbm>> -> memref<1x632x128xf32, #tpu.memory_space<hbm>>
      %dma_wait3A_70 = tpu.memref_squeeze %dma_wait3A_69 : memref<1x632x128xf32, #tpu.memory_space<hbm>> -> memref<632x128xf32, #tpu.memory_space<hbm>>
      %dma_wait3A_71 = arith.constant 0 : i32
      %dma_wait3A_72 = tpu.memref_slice %arg8[%mul3A_2, %dma_wait3A_71] : memref<10112x128xf32, #tpu.memory_space<vmem_shared>> -> memref<632x128xf32, #tpu.memory_space<vmem_shared>>
      tpu.wait_dma2 semaphore(%run_scoped3A : memref<!tpu.dma_semaphore, #tpu.memory_space<semaphore_mem>>) src(%dma_wait3A_72 : memref<632x128xf32, #tpu.memory_space<vmem_shared>>) dst(%dma_wait3A_70 : memref<632x128xf32, #tpu.memory_space<hbm>>)
      tpu.yield
    }) : () -> ()
    return
  }
}

#map = affine_map<(d0, d1) -> (0, 0)>
#map1 = affine_map<(d0, d1) -> (0, 0, 0)>
module attributes {stable_mosaic.version = 14 : i64} {
  func.func @agg_kernel(%arg0: i32, %arg1: i32, %arg2: memref<10112x128xf32, #tpu.memory_space<hbm>>, %arg3: memref<32x80x128xi32, #tpu.memory_space<hbm>>, %arg4: memref<32x80x128xi32, #tpu.memory_space<hbm>>, %arg5: memref<10112x128xf32, #tpu.memory_space<hbm>>, %arg6: memref<2x10112x128xf32, #tpu.memory_space<hbm>>, %arg7: memref<80x128xi32, #tpu.memory_space<vmem>>, %arg8: memref<80x128xi32, #tpu.memory_space<vmem>>, %arg9: memref<128x128xf32, #tpu.memory_space<vmem>>, %arg10: memref<10112x128xf32, #tpu.memory_space<vmem_shared>>) attributes {dimension_semantics = [#tpu.dimension_semantics<core_parallel>, #tpu.dimension_semantics<subcore_parallel>], iteration_bounds = array<i64: 2, 16>, scalar_prefetch = 0 : i64, scratch_operands = 4 : i64, tpu.core_type = #tpu.core_type<sc_vector_subcore>, window_params = [{transform_indices = #map}, {transform_indices = #map1}, {transform_indices = #map1}, {transform_indices = #map}, {transform_indices = #map1}]} {
    %mul3A = arith.constant 2 : i32
    %mul3A_0 = arith.muli %arg1, %mul3A : i32
    %add3A = arith.addi %mul3A_0, %arg0 : i32
    %mul3A_1 = arith.constant 632 : i32
    %mul3A_2 = arith.muli %arg1, %mul3A_1 : i32
    %eq3A = arith.constant 0 : i32
    %eq3A_3 = arith.cmpi eq, %arg0, %eq3A : i32
    %jit3A = arith.constant 80 : i32
    %jit3A_4 = arith.constant 80 : i32
    %select_n3A = arith.select %eq3A_3, %jit3A, %jit3A_4 : i32
    "tpu.region"() ({
      %run_scoped3A = tpu.sem_alloc : memref<!tpu.dma_semaphore, #tpu.memory_space<semaphore_mem>>
      %dma_start3A = arith.constant 0 : i32
      %dma_start3A_15 = tpu.memref_slice %arg10[%mul3A_2, %dma_start3A] : memref<10112x128xf32, #tpu.memory_space<vmem_shared>> -> memref<632x128xf32, #tpu.memory_space<vmem_shared>>
      %dma_start3A_16 = arith.constant 0 : i32
      %dma_start3A_17 = tpu.memref_slice %arg5[%mul3A_2, %dma_start3A_16] : memref<10112x128xf32, #tpu.memory_space<hbm>> -> memref<632x128xf32, #tpu.memory_space<hbm>>
      tpu.enqueue_dma source(%dma_start3A_17 : memref<632x128xf32, #tpu.memory_space<hbm>>) target(%dma_start3A_15 : memref<632x128xf32, #tpu.memory_space<vmem_shared>>) target_semaphore(%run_scoped3A : memref<!tpu.dma_semaphore, #tpu.memory_space<semaphore_mem>>)
      %dma_wait3A = arith.constant 0 : i32
      %dma_wait3A_18 = tpu.memref_slice %arg10[%mul3A_2, %dma_wait3A] : memref<10112x128xf32, #tpu.memory_space<vmem_shared>> -> memref<632x128xf32, #tpu.memory_space<vmem_shared>>
      %dma_wait3A_19 = arith.constant 0 : i32
      %dma_wait3A_20 = tpu.memref_slice %arg5[%mul3A_2, %dma_wait3A_19] : memref<10112x128xf32, #tpu.memory_space<hbm>> -> memref<632x128xf32, #tpu.memory_space<hbm>>
      tpu.wait_dma2 semaphore(%run_scoped3A : memref<!tpu.dma_semaphore, #tpu.memory_space<semaphore_mem>>) src(%dma_wait3A_20 : memref<632x128xf32, #tpu.memory_space<hbm>>) dst(%dma_wait3A_18 : memref<632x128xf32, #tpu.memory_space<vmem_shared>>)
      tpu.yield
    }) : () -> ()
    "tpu.region"() ({
      %run_scoped3A = tpu.sem_alloc : memref<!tpu.dma_semaphore, #tpu.memory_space<semaphore_mem>>
      %dma_start3A = arith.constant 0 : i32
      %dma_start3A_15 = arith.constant 0 : i32
      %dma_start3A_16 = tpu.memref_slice %arg3[%add3A, %dma_start3A, %dma_start3A_15] : memref<32x80x128xi32, #tpu.memory_space<hbm>> -> memref<1x80x128xi32, #tpu.memory_space<hbm>>
      %dma_start3A_17 = tpu.memref_squeeze %dma_start3A_16 : memref<1x80x128xi32, #tpu.memory_space<hbm>> -> memref<80x128xi32, #tpu.memory_space<hbm>>
      %dma_start3A_18 = arith.constant 0 : i32
      %dma_start3A_19 = arith.constant 0 : i32
      %dma_start3A_20 = tpu.memref_slice %arg3[%add3A, %dma_start3A_18, %dma_start3A_19] : memref<32x80x128xi32, #tpu.memory_space<hbm>> -> memref<1x80x128xi32, #tpu.memory_space<hbm>>
      %dma_start3A_21 = tpu.memref_squeeze %dma_start3A_20 : memref<1x80x128xi32, #tpu.memory_space<hbm>> -> memref<80x128xi32, #tpu.memory_space<hbm>>
      tpu.enqueue_dma source(%dma_start3A_21 : memref<80x128xi32, #tpu.memory_space<hbm>>) target(%arg7 : memref<80x128xi32, #tpu.memory_space<vmem>>) target_semaphore(%run_scoped3A : memref<!tpu.dma_semaphore, #tpu.memory_space<semaphore_mem>>)
      %dma_wait3A = arith.constant 0 : i32
      %dma_wait3A_22 = arith.constant 0 : i32
      %dma_wait3A_23 = tpu.memref_slice %arg3[%add3A, %dma_wait3A, %dma_wait3A_22] : memref<32x80x128xi32, #tpu.memory_space<hbm>> -> memref<1x80x128xi32, #tpu.memory_space<hbm>>
      %dma_wait3A_24 = tpu.memref_squeeze %dma_wait3A_23 : memref<1x80x128xi32, #tpu.memory_space<hbm>> -> memref<80x128xi32, #tpu.memory_space<hbm>>
      %dma_wait3A_25 = arith.constant 0 : i32
      %dma_wait3A_26 = arith.constant 0 : i32
      %dma_wait3A_27 = tpu.memref_slice %arg3[%add3A, %dma_wait3A_25, %dma_wait3A_26] : memref<32x80x128xi32, #tpu.memory_space<hbm>> -> memref<1x80x128xi32, #tpu.memory_space<hbm>>
      %dma_wait3A_28 = tpu.memref_squeeze %dma_wait3A_27 : memref<1x80x128xi32, #tpu.memory_space<hbm>> -> memref<80x128xi32, #tpu.memory_space<hbm>>
      tpu.wait_dma2 semaphore(%run_scoped3A : memref<!tpu.dma_semaphore, #tpu.memory_space<semaphore_mem>>) src(%dma_wait3A_28 : memref<80x128xi32, #tpu.memory_space<hbm>>) dst(%arg7 : memref<80x128xi32, #tpu.memory_space<vmem>>)
      tpu.yield
    }) : () -> ()
    "tpu.region"() ({
      %run_scoped3A = tpu.sem_alloc : memref<!tpu.dma_semaphore, #tpu.memory_space<semaphore_mem>>
      %dma_start3A = arith.constant 0 : i32
      %dma_start3A_15 = arith.constant 0 : i32
      %dma_start3A_16 = tpu.memref_slice %arg4[%add3A, %dma_start3A, %dma_start3A_15] : memref<32x80x128xi32, #tpu.memory_space<hbm>> -> memref<1x80x128xi32, #tpu.memory_space<hbm>>
      %dma_start3A_17 = tpu.memref_squeeze %dma_start3A_16 : memref<1x80x128xi32, #tpu.memory_space<hbm>> -> memref<80x128xi32, #tpu.memory_space<hbm>>
      %dma_start3A_18 = arith.constant 0 : i32
      %dma_start3A_19 = arith.constant 0 : i32
      %dma_start3A_20 = tpu.memref_slice %arg4[%add3A, %dma_start3A_18, %dma_start3A_19] : memref<32x80x128xi32, #tpu.memory_space<hbm>> -> memref<1x80x128xi32, #tpu.memory_space<hbm>>
      %dma_start3A_21 = tpu.memref_squeeze %dma_start3A_20 : memref<1x80x128xi32, #tpu.memory_space<hbm>> -> memref<80x128xi32, #tpu.memory_space<hbm>>
      tpu.enqueue_dma source(%dma_start3A_21 : memref<80x128xi32, #tpu.memory_space<hbm>>) target(%arg8 : memref<80x128xi32, #tpu.memory_space<vmem>>) target_semaphore(%run_scoped3A : memref<!tpu.dma_semaphore, #tpu.memory_space<semaphore_mem>>)
      %dma_wait3A = arith.constant 0 : i32
      %dma_wait3A_22 = arith.constant 0 : i32
      %dma_wait3A_23 = tpu.memref_slice %arg4[%add3A, %dma_wait3A, %dma_wait3A_22] : memref<32x80x128xi32, #tpu.memory_space<hbm>> -> memref<1x80x128xi32, #tpu.memory_space<hbm>>
      %dma_wait3A_24 = tpu.memref_squeeze %dma_wait3A_23 : memref<1x80x128xi32, #tpu.memory_space<hbm>> -> memref<80x128xi32, #tpu.memory_space<hbm>>
      %dma_wait3A_25 = arith.constant 0 : i32
      %dma_wait3A_26 = arith.constant 0 : i32
      %dma_wait3A_27 = tpu.memref_slice %arg4[%add3A, %dma_wait3A_25, %dma_wait3A_26] : memref<32x80x128xi32, #tpu.memory_space<hbm>> -> memref<1x80x128xi32, #tpu.memory_space<hbm>>
      %dma_wait3A_28 = tpu.memref_squeeze %dma_wait3A_27 : memref<1x80x128xi32, #tpu.memory_space<hbm>> -> memref<80x128xi32, #tpu.memory_space<hbm>>
      tpu.wait_dma2 semaphore(%run_scoped3A : memref<!tpu.dma_semaphore, #tpu.memory_space<semaphore_mem>>) src(%dma_wait3A_28 : memref<80x128xi32, #tpu.memory_space<hbm>>) dst(%arg8 : memref<80x128xi32, #tpu.memory_space<vmem>>)
      tpu.yield
    }) : () -> ()
    %barrier3A = arith.constant 0 : index
    tpu.barrier barrier_id(%barrier3A)
    %while3A = arith.constant 0 : i32
    %while3A_5 = arith.constant 0 : i32
    %while3A_6 = arith.subi %select_n3A, %while3A_5 : i32
    %while3A_7 = arith.addi %while3A_5, %while3A_6 : i32
    %while3A_8 = arith.constant 1 : i32
    %while3A_9 = arith.divsi %while3A_6, %while3A_8 : i32
    %while3A_10 = arith.muli %while3A_9, %while3A_8 : i32
    %while3A_11 = arith.addi %while3A_5, %while3A_10 : i32
    %while3A_12 = arith.constant 1 : i32
    scf.for %while3A_15 = %while3A_5 to %while3A_11 step %while3A_12  : i32 {
      "tpu.region"() ({
        %run_scoped3A = tpu.sem_alloc : memref<!tpu.dma_semaphore, #tpu.memory_space<semaphore_mem>>
        %dma_start3A = arith.constant 0 : i32
        %dma_start3A_16 = tpu.memref_slice %arg7[%while3A_15, %dma_start3A] : memref<80x128xi32, #tpu.memory_space<vmem>> -> memref<1x128xi32, #tpu.memory_space<vmem>>
        %dma_start3A_17 = tpu.memref_squeeze %dma_start3A_16 : memref<1x128xi32, #tpu.memory_space<vmem>> -> memref<128xi32, #tpu.memory_space<vmem>>
        %dma_start3A_18 = arith.constant 0 : i32
        %dma_start3A_19 = arith.constant 0 : i32
        %dma_start3A_20 = tpu.memref_slice %arg2[%dma_start3A_18, %dma_start3A_19] : memref<10112x128xf32, #tpu.memory_space<hbm>> -> memref<10112x128xf32, #tpu.memory_space<hbm>>
        tpu.enqueue_indirect_dma source(%dma_start3A_20 : memref<10112x128xf32, #tpu.memory_space<hbm>>) target(%arg9 : memref<128x128xf32, #tpu.memory_space<vmem>>) offsets(%dma_start3A_17 : memref<128xi32, #tpu.memory_space<vmem>>) semaphore(%run_scoped3A : memref<!tpu.dma_semaphore, #tpu.memory_space<semaphore_mem>>)
        %dma_wait3A = arith.constant 0 : i32
        %dma_wait3A_21 = tpu.memref_slice %arg7[%while3A_15, %dma_wait3A] : memref<80x128xi32, #tpu.memory_space<vmem>> -> memref<1x128xi32, #tpu.memory_space<vmem>>
        %dma_wait3A_22 = tpu.memref_squeeze %dma_wait3A_21 : memref<1x128xi32, #tpu.memory_space<vmem>> -> memref<128xi32, #tpu.memory_space<vmem>>
        %dma_wait3A_23 = arith.constant 0 : i32
        %dma_wait3A_24 = arith.constant 0 : i32
        %dma_wait3A_25 = tpu.memref_slice %arg2[%dma_wait3A_23, %dma_wait3A_24] : memref<10112x128xf32, #tpu.memory_space<hbm>> -> memref<10112x128xf32, #tpu.memory_space<hbm>>
        tpu.wait_indirect_dma semaphore(%run_scoped3A : memref<!tpu.dma_semaphore, #tpu.memory_space<semaphore_mem>>) src(%dma_wait3A_25 : memref<10112x128xf32, #tpu.memory_space<hbm>>) dst(%arg9 : memref<128x128xf32, #tpu.memory_space<vmem>>)
        tpu.yield
      }) : () -> ()
      "tpu.region"() ({
        %run_scoped3A = tpu.sem_alloc : memref<!tpu.dma_semaphore, #tpu.memory_space<semaphore_mem>>
        %dma_start3A = arith.constant 0 : i32
        %dma_start3A_16 = tpu.memref_slice %arg8[%while3A_15, %dma_start3A] : memref<80x128xi32, #tpu.memory_space<vmem>> -> memref<1x128xi32, #tpu.memory_space<vmem>>
        %dma_start3A_17 = tpu.memref_squeeze %dma_start3A_16 : memref<1x128xi32, #tpu.memory_space<vmem>> -> memref<128xi32, #tpu.memory_space<vmem>>
        %dma_start3A_18 = arith.constant 0 : i32
        %dma_start3A_19 = arith.constant 0 : i32
        %dma_start3A_20 = tpu.memref_slice %arg10[%dma_start3A_18, %dma_start3A_19] : memref<10112x128xf32, #tpu.memory_space<vmem_shared>> -> memref<10112x128xf32, #tpu.memory_space<vmem_shared>>
        tpu.enqueue_indirect_dma source(%arg9 : memref<128x128xf32, #tpu.memory_space<vmem>>) target(%dma_start3A_20 : memref<10112x128xf32, #tpu.memory_space<vmem_shared>>) offsets(%dma_start3A_17 : memref<128xi32, #tpu.memory_space<vmem>>) semaphore(%run_scoped3A : memref<!tpu.dma_semaphore, #tpu.memory_space<semaphore_mem>>) {add = true}
        %dma_wait3A = arith.constant 0 : i32
        %dma_wait3A_21 = tpu.memref_slice %arg8[%while3A_15, %dma_wait3A] : memref<80x128xi32, #tpu.memory_space<vmem>> -> memref<1x128xi32, #tpu.memory_space<vmem>>
        %dma_wait3A_22 = tpu.memref_squeeze %dma_wait3A_21 : memref<1x128xi32, #tpu.memory_space<vmem>> -> memref<128xi32, #tpu.memory_space<vmem>>
        %dma_wait3A_23 = arith.constant 0 : i32
        %dma_wait3A_24 = arith.constant 0 : i32
        %dma_wait3A_25 = tpu.memref_slice %arg10[%dma_wait3A_23, %dma_wait3A_24] : memref<10112x128xf32, #tpu.memory_space<vmem_shared>> -> memref<10112x128xf32, #tpu.memory_space<vmem_shared>>
        tpu.wait_indirect_dma semaphore(%run_scoped3A : memref<!tpu.dma_semaphore, #tpu.memory_space<semaphore_mem>>) src(%arg9 : memref<128x128xf32, #tpu.memory_space<vmem>>) dst(%dma_wait3A_25 : memref<10112x128xf32, #tpu.memory_space<vmem_shared>>)
        tpu.yield
      }) : () -> ()
    }
    %while3A_13 = arith.constant 1 : i32
    scf.for %while3A_15 = %while3A_11 to %while3A_7 step %while3A_13  : i32 {
      "tpu.region"() ({
        %run_scoped3A = tpu.sem_alloc : memref<!tpu.dma_semaphore, #tpu.memory_space<semaphore_mem>>
        %dma_start3A = arith.constant 0 : i32
        %dma_start3A_16 = tpu.memref_slice %arg7[%while3A_15, %dma_start3A] : memref<80x128xi32, #tpu.memory_space<vmem>> -> memref<1x128xi32, #tpu.memory_space<vmem>>
        %dma_start3A_17 = tpu.memref_squeeze %dma_start3A_16 : memref<1x128xi32, #tpu.memory_space<vmem>> -> memref<128xi32, #tpu.memory_space<vmem>>
        %dma_start3A_18 = arith.constant 0 : i32
        %dma_start3A_19 = arith.constant 0 : i32
        %dma_start3A_20 = tpu.memref_slice %arg2[%dma_start3A_18, %dma_start3A_19] : memref<10112x128xf32, #tpu.memory_space<hbm>> -> memref<10112x128xf32, #tpu.memory_space<hbm>>
        tpu.enqueue_indirect_dma source(%dma_start3A_20 : memref<10112x128xf32, #tpu.memory_space<hbm>>) target(%arg9 : memref<128x128xf32, #tpu.memory_space<vmem>>) offsets(%dma_start3A_17 : memref<128xi32, #tpu.memory_space<vmem>>) semaphore(%run_scoped3A : memref<!tpu.dma_semaphore, #tpu.memory_space<semaphore_mem>>)
        %dma_wait3A = arith.constant 0 : i32
        %dma_wait3A_21 = tpu.memref_slice %arg7[%while3A_15, %dma_wait3A] : memref<80x128xi32, #tpu.memory_space<vmem>> -> memref<1x128xi32, #tpu.memory_space<vmem>>
        %dma_wait3A_22 = tpu.memref_squeeze %dma_wait3A_21 : memref<1x128xi32, #tpu.memory_space<vmem>> -> memref<128xi32, #tpu.memory_space<vmem>>
        %dma_wait3A_23 = arith.constant 0 : i32
        %dma_wait3A_24 = arith.constant 0 : i32
        %dma_wait3A_25 = tpu.memref_slice %arg2[%dma_wait3A_23, %dma_wait3A_24] : memref<10112x128xf32, #tpu.memory_space<hbm>> -> memref<10112x128xf32, #tpu.memory_space<hbm>>
        tpu.wait_indirect_dma semaphore(%run_scoped3A : memref<!tpu.dma_semaphore, #tpu.memory_space<semaphore_mem>>) src(%dma_wait3A_25 : memref<10112x128xf32, #tpu.memory_space<hbm>>) dst(%arg9 : memref<128x128xf32, #tpu.memory_space<vmem>>)
        tpu.yield
      }) : () -> ()
      "tpu.region"() ({
        %run_scoped3A = tpu.sem_alloc : memref<!tpu.dma_semaphore, #tpu.memory_space<semaphore_mem>>
        %dma_start3A = arith.constant 0 : i32
        %dma_start3A_16 = tpu.memref_slice %arg8[%while3A_15, %dma_start3A] : memref<80x128xi32, #tpu.memory_space<vmem>> -> memref<1x128xi32, #tpu.memory_space<vmem>>
        %dma_start3A_17 = tpu.memref_squeeze %dma_start3A_16 : memref<1x128xi32, #tpu.memory_space<vmem>> -> memref<128xi32, #tpu.memory_space<vmem>>
        %dma_start3A_18 = arith.constant 0 : i32
        %dma_start3A_19 = arith.constant 0 : i32
        %dma_start3A_20 = tpu.memref_slice %arg10[%dma_start3A_18, %dma_start3A_19] : memref<10112x128xf32, #tpu.memory_space<vmem_shared>> -> memref<10112x128xf32, #tpu.memory_space<vmem_shared>>
        tpu.enqueue_indirect_dma source(%arg9 : memref<128x128xf32, #tpu.memory_space<vmem>>) target(%dma_start3A_20 : memref<10112x128xf32, #tpu.memory_space<vmem_shared>>) offsets(%dma_start3A_17 : memref<128xi32, #tpu.memory_space<vmem>>) semaphore(%run_scoped3A : memref<!tpu.dma_semaphore, #tpu.memory_space<semaphore_mem>>) {add = true}
        %dma_wait3A = arith.constant 0 : i32
        %dma_wait3A_21 = tpu.memref_slice %arg8[%while3A_15, %dma_wait3A] : memref<80x128xi32, #tpu.memory_space<vmem>> -> memref<1x128xi32, #tpu.memory_space<vmem>>
        %dma_wait3A_22 = tpu.memref_squeeze %dma_wait3A_21 : memref<1x128xi32, #tpu.memory_space<vmem>> -> memref<128xi32, #tpu.memory_space<vmem>>
        %dma_wait3A_23 = arith.constant 0 : i32
        %dma_wait3A_24 = arith.constant 0 : i32
        %dma_wait3A_25 = tpu.memref_slice %arg10[%dma_wait3A_23, %dma_wait3A_24] : memref<10112x128xf32, #tpu.memory_space<vmem_shared>> -> memref<10112x128xf32, #tpu.memory_space<vmem_shared>>
        tpu.wait_indirect_dma semaphore(%run_scoped3A : memref<!tpu.dma_semaphore, #tpu.memory_space<semaphore_mem>>) src(%arg9 : memref<128x128xf32, #tpu.memory_space<vmem>>) dst(%dma_wait3A_25 : memref<10112x128xf32, #tpu.memory_space<vmem_shared>>)
        tpu.yield
      }) : () -> ()
    }
    %barrier3A_14 = arith.constant 0 : index
    tpu.barrier barrier_id(%barrier3A_14)
    "tpu.region"() ({
      %run_scoped3A = tpu.sem_alloc : memref<!tpu.dma_semaphore, #tpu.memory_space<semaphore_mem>>
      %dma_start3A = arith.constant 0 : i32
      %dma_start3A_15 = tpu.memref_slice %arg6[%arg0, %mul3A_2, %dma_start3A] : memref<2x10112x128xf32, #tpu.memory_space<hbm>> -> memref<1x632x128xf32, #tpu.memory_space<hbm>>
      %dma_start3A_16 = tpu.memref_squeeze %dma_start3A_15 : memref<1x632x128xf32, #tpu.memory_space<hbm>> -> memref<632x128xf32, #tpu.memory_space<hbm>>
      %dma_start3A_17 = arith.constant 0 : i32
      %dma_start3A_18 = tpu.memref_slice %arg10[%mul3A_2, %dma_start3A_17] : memref<10112x128xf32, #tpu.memory_space<vmem_shared>> -> memref<632x128xf32, #tpu.memory_space<vmem_shared>>
      tpu.enqueue_dma source(%dma_start3A_18 : memref<632x128xf32, #tpu.memory_space<vmem_shared>>) target(%dma_start3A_16 : memref<632x128xf32, #tpu.memory_space<hbm>>) target_semaphore(%run_scoped3A : memref<!tpu.dma_semaphore, #tpu.memory_space<semaphore_mem>>)
      %dma_wait3A = arith.constant 0 : i32
      %dma_wait3A_19 = tpu.memref_slice %arg6[%arg0, %mul3A_2, %dma_wait3A] : memref<2x10112x128xf32, #tpu.memory_space<hbm>> -> memref<1x632x128xf32, #tpu.memory_space<hbm>>
      %dma_wait3A_20 = tpu.memref_squeeze %dma_wait3A_19 : memref<1x632x128xf32, #tpu.memory_space<hbm>> -> memref<632x128xf32, #tpu.memory_space<hbm>>
      %dma_wait3A_21 = arith.constant 0 : i32
      %dma_wait3A_22 = tpu.memref_slice %arg10[%mul3A_2, %dma_wait3A_21] : memref<10112x128xf32, #tpu.memory_space<vmem_shared>> -> memref<632x128xf32, #tpu.memory_space<vmem_shared>>
      tpu.wait_dma2 semaphore(%run_scoped3A : memref<!tpu.dma_semaphore, #tpu.memory_space<semaphore_mem>>) src(%dma_wait3A_22 : memref<632x128xf32, #tpu.memory_space<vmem_shared>>) dst(%dma_wait3A_20 : memref<632x128xf32, #tpu.memory_space<hbm>>)
      tpu.yield
    }) : () -> ()
    return
  }
}

#map = affine_map<(d0, d1) -> (0, 0)>
#map1 = affine_map<(d0, d1) -> (0, 0, 0)>
module attributes {stable_mosaic.version = 14 : i64} {
  func.func @agg_kernel(%arg0: i32, %arg1: i32, %arg2: memref<10112x128xf32, #tpu.memory_space<hbm>>, %arg3: memref<32x80x128xi32, #tpu.memory_space<hbm>>, %arg4: memref<32x80x128xi32, #tpu.memory_space<hbm>>, %arg5: memref<10112x128xf32, #tpu.memory_space<hbm>>, %arg6: memref<2x10112x128xf32, #tpu.memory_space<hbm>>, %arg7: memref<80x128xi32, #tpu.memory_space<vmem>>, %arg8: memref<80x128xi32, #tpu.memory_space<vmem>>, %arg9: memref<128x128xf32, #tpu.memory_space<vmem>>, %arg10: memref<10112x128xf32, #tpu.memory_space<vmem_shared>>) attributes {dimension_semantics = [#tpu.dimension_semantics<core_parallel>, #tpu.dimension_semantics<subcore_parallel>], iteration_bounds = array<i64: 2, 16>, scalar_prefetch = 0 : i64, scratch_operands = 4 : i64, tpu.core_type = #tpu.core_type<sc_vector_subcore>, window_params = [{transform_indices = #map}, {transform_indices = #map1}, {transform_indices = #map1}, {transform_indices = #map}, {transform_indices = #map1}]} {
    %mul3A = arith.constant 2 : i32
    %mul3A_0 = arith.muli %arg1, %mul3A : i32
    %add3A = arith.addi %mul3A_0, %arg0 : i32
    %mul3A_1 = arith.constant 632 : i32
    %mul3A_2 = arith.muli %arg1, %mul3A_1 : i32
    %eq3A = arith.constant 0 : i32
    %eq3A_3 = arith.cmpi eq, %arg0, %eq3A : i32
    %jit3A = arith.constant 80 : i32
    %jit3A_4 = arith.constant 80 : i32
    %select_n3A = arith.select %eq3A_3, %jit3A, %jit3A_4 : i32
    "tpu.region"() ({
      %run_scoped3A = tpu.sem_alloc : memref<!tpu.dma_semaphore, #tpu.memory_space<semaphore_mem>>
      %dma_start3A = arith.constant 0 : i32
      %dma_start3A_15 = tpu.memref_slice %arg10[%mul3A_2, %dma_start3A] : memref<10112x128xf32, #tpu.memory_space<vmem_shared>> -> memref<632x128xf32, #tpu.memory_space<vmem_shared>>
      %dma_start3A_16 = arith.constant 0 : i32
      %dma_start3A_17 = tpu.memref_slice %arg5[%mul3A_2, %dma_start3A_16] : memref<10112x128xf32, #tpu.memory_space<hbm>> -> memref<632x128xf32, #tpu.memory_space<hbm>>
      tpu.enqueue_dma source(%dma_start3A_17 : memref<632x128xf32, #tpu.memory_space<hbm>>) target(%dma_start3A_15 : memref<632x128xf32, #tpu.memory_space<vmem_shared>>) target_semaphore(%run_scoped3A : memref<!tpu.dma_semaphore, #tpu.memory_space<semaphore_mem>>)
      %dma_wait3A = arith.constant 0 : i32
      %dma_wait3A_18 = tpu.memref_slice %arg10[%mul3A_2, %dma_wait3A] : memref<10112x128xf32, #tpu.memory_space<vmem_shared>> -> memref<632x128xf32, #tpu.memory_space<vmem_shared>>
      %dma_wait3A_19 = arith.constant 0 : i32
      %dma_wait3A_20 = tpu.memref_slice %arg5[%mul3A_2, %dma_wait3A_19] : memref<10112x128xf32, #tpu.memory_space<hbm>> -> memref<632x128xf32, #tpu.memory_space<hbm>>
      tpu.wait_dma2 semaphore(%run_scoped3A : memref<!tpu.dma_semaphore, #tpu.memory_space<semaphore_mem>>) src(%dma_wait3A_20 : memref<632x128xf32, #tpu.memory_space<hbm>>) dst(%dma_wait3A_18 : memref<632x128xf32, #tpu.memory_space<vmem_shared>>)
      tpu.yield
    }) : () -> ()
    "tpu.region"() ({
      %run_scoped3A = tpu.sem_alloc : memref<!tpu.dma_semaphore, #tpu.memory_space<semaphore_mem>>
      %dma_start3A = arith.constant 0 : i32
      %dma_start3A_15 = arith.constant 0 : i32
      %dma_start3A_16 = tpu.memref_slice %arg3[%add3A, %dma_start3A, %dma_start3A_15] : memref<32x80x128xi32, #tpu.memory_space<hbm>> -> memref<1x80x128xi32, #tpu.memory_space<hbm>>
      %dma_start3A_17 = tpu.memref_squeeze %dma_start3A_16 : memref<1x80x128xi32, #tpu.memory_space<hbm>> -> memref<80x128xi32, #tpu.memory_space<hbm>>
      %dma_start3A_18 = arith.constant 0 : i32
      %dma_start3A_19 = arith.constant 0 : i32
      %dma_start3A_20 = tpu.memref_slice %arg3[%add3A, %dma_start3A_18, %dma_start3A_19] : memref<32x80x128xi32, #tpu.memory_space<hbm>> -> memref<1x80x128xi32, #tpu.memory_space<hbm>>
      %dma_start3A_21 = tpu.memref_squeeze %dma_start3A_20 : memref<1x80x128xi32, #tpu.memory_space<hbm>> -> memref<80x128xi32, #tpu.memory_space<hbm>>
      tpu.enqueue_dma source(%dma_start3A_21 : memref<80x128xi32, #tpu.memory_space<hbm>>) target(%arg7 : memref<80x128xi32, #tpu.memory_space<vmem>>) target_semaphore(%run_scoped3A : memref<!tpu.dma_semaphore, #tpu.memory_space<semaphore_mem>>)
      %dma_wait3A = arith.constant 0 : i32
      %dma_wait3A_22 = arith.constant 0 : i32
      %dma_wait3A_23 = tpu.memref_slice %arg3[%add3A, %dma_wait3A, %dma_wait3A_22] : memref<32x80x128xi32, #tpu.memory_space<hbm>> -> memref<1x80x128xi32, #tpu.memory_space<hbm>>
      %dma_wait3A_24 = tpu.memref_squeeze %dma_wait3A_23 : memref<1x80x128xi32, #tpu.memory_space<hbm>> -> memref<80x128xi32, #tpu.memory_space<hbm>>
      %dma_wait3A_25 = arith.constant 0 : i32
      %dma_wait3A_26 = arith.constant 0 : i32
      %dma_wait3A_27 = tpu.memref_slice %arg3[%add3A, %dma_wait3A_25, %dma_wait3A_26] : memref<32x80x128xi32, #tpu.memory_space<hbm>> -> memref<1x80x128xi32, #tpu.memory_space<hbm>>
      %dma_wait3A_28 = tpu.memref_squeeze %dma_wait3A_27 : memref<1x80x128xi32, #tpu.memory_space<hbm>> -> memref<80x128xi32, #tpu.memory_space<hbm>>
      tpu.wait_dma2 semaphore(%run_scoped3A : memref<!tpu.dma_semaphore, #tpu.memory_space<semaphore_mem>>) src(%dma_wait3A_28 : memref<80x128xi32, #tpu.memory_space<hbm>>) dst(%arg7 : memref<80x128xi32, #tpu.memory_space<vmem>>)
      tpu.yield
    }) : () -> ()
    "tpu.region"() ({
      %run_scoped3A = tpu.sem_alloc : memref<!tpu.dma_semaphore, #tpu.memory_space<semaphore_mem>>
      %dma_start3A = arith.constant 0 : i32
      %dma_start3A_15 = arith.constant 0 : i32
      %dma_start3A_16 = tpu.memref_slice %arg4[%add3A, %dma_start3A, %dma_start3A_15] : memref<32x80x128xi32, #tpu.memory_space<hbm>> -> memref<1x80x128xi32, #tpu.memory_space<hbm>>
      %dma_start3A_17 = tpu.memref_squeeze %dma_start3A_16 : memref<1x80x128xi32, #tpu.memory_space<hbm>> -> memref<80x128xi32, #tpu.memory_space<hbm>>
      %dma_start3A_18 = arith.constant 0 : i32
      %dma_start3A_19 = arith.constant 0 : i32
      %dma_start3A_20 = tpu.memref_slice %arg4[%add3A, %dma_start3A_18, %dma_start3A_19] : memref<32x80x128xi32, #tpu.memory_space<hbm>> -> memref<1x80x128xi32, #tpu.memory_space<hbm>>
      %dma_start3A_21 = tpu.memref_squeeze %dma_start3A_20 : memref<1x80x128xi32, #tpu.memory_space<hbm>> -> memref<80x128xi32, #tpu.memory_space<hbm>>
      tpu.enqueue_dma source(%dma_start3A_21 : memref<80x128xi32, #tpu.memory_space<hbm>>) target(%arg8 : memref<80x128xi32, #tpu.memory_space<vmem>>) target_semaphore(%run_scoped3A : memref<!tpu.dma_semaphore, #tpu.memory_space<semaphore_mem>>)
      %dma_wait3A = arith.constant 0 : i32
      %dma_wait3A_22 = arith.constant 0 : i32
      %dma_wait3A_23 = tpu.memref_slice %arg4[%add3A, %dma_wait3A, %dma_wait3A_22] : memref<32x80x128xi32, #tpu.memory_space<hbm>> -> memref<1x80x128xi32, #tpu.memory_space<hbm>>
      %dma_wait3A_24 = tpu.memref_squeeze %dma_wait3A_23 : memref<1x80x128xi32, #tpu.memory_space<hbm>> -> memref<80x128xi32, #tpu.memory_space<hbm>>
      %dma_wait3A_25 = arith.constant 0 : i32
      %dma_wait3A_26 = arith.constant 0 : i32
      %dma_wait3A_27 = tpu.memref_slice %arg4[%add3A, %dma_wait3A_25, %dma_wait3A_26] : memref<32x80x128xi32, #tpu.memory_space<hbm>> -> memref<1x80x128xi32, #tpu.memory_space<hbm>>
      %dma_wait3A_28 = tpu.memref_squeeze %dma_wait3A_27 : memref<1x80x128xi32, #tpu.memory_space<hbm>> -> memref<80x128xi32, #tpu.memory_space<hbm>>
      tpu.wait_dma2 semaphore(%run_scoped3A : memref<!tpu.dma_semaphore, #tpu.memory_space<semaphore_mem>>) src(%dma_wait3A_28 : memref<80x128xi32, #tpu.memory_space<hbm>>) dst(%arg8 : memref<80x128xi32, #tpu.memory_space<vmem>>)
      tpu.yield
    }) : () -> ()
    %barrier3A = arith.constant 0 : index
    tpu.barrier barrier_id(%barrier3A)
    %while3A = arith.constant 0 : i32
    %while3A_5 = arith.constant 0 : i32
    %while3A_6 = arith.subi %select_n3A, %while3A_5 : i32
    %while3A_7 = arith.addi %while3A_5, %while3A_6 : i32
    %while3A_8 = arith.constant 1 : i32
    %while3A_9 = arith.divsi %while3A_6, %while3A_8 : i32
    %while3A_10 = arith.muli %while3A_9, %while3A_8 : i32
    %while3A_11 = arith.addi %while3A_5, %while3A_10 : i32
    %while3A_12 = arith.constant 1 : i32
    scf.for %while3A_15 = %while3A_5 to %while3A_11 step %while3A_12  : i32 {
      "tpu.region"() ({
        %run_scoped3A = tpu.sem_alloc : memref<!tpu.dma_semaphore, #tpu.memory_space<semaphore_mem>>
        %dma_start3A = arith.constant 0 : i32
        %dma_start3A_16 = tpu.memref_slice %arg7[%while3A_15, %dma_start3A] : memref<80x128xi32, #tpu.memory_space<vmem>> -> memref<1x128xi32, #tpu.memory_space<vmem>>
        %dma_start3A_17 = tpu.memref_squeeze %dma_start3A_16 : memref<1x128xi32, #tpu.memory_space<vmem>> -> memref<128xi32, #tpu.memory_space<vmem>>
        %dma_start3A_18 = arith.constant 0 : i32
        %dma_start3A_19 = arith.constant 0 : i32
        %dma_start3A_20 = tpu.memref_slice %arg2[%dma_start3A_18, %dma_start3A_19] : memref<10112x128xf32, #tpu.memory_space<hbm>> -> memref<10112x128xf32, #tpu.memory_space<hbm>>
        tpu.enqueue_indirect_dma source(%dma_start3A_20 : memref<10112x128xf32, #tpu.memory_space<hbm>>) target(%arg9 : memref<128x128xf32, #tpu.memory_space<vmem>>) offsets(%dma_start3A_17 : memref<128xi32, #tpu.memory_space<vmem>>) semaphore(%run_scoped3A : memref<!tpu.dma_semaphore, #tpu.memory_space<semaphore_mem>>)
        %dma_wait3A = arith.constant 0 : i32
        %dma_wait3A_21 = tpu.memref_slice %arg7[%while3A_15, %dma_wait3A] : memref<80x128xi32, #tpu.memory_space<vmem>> -> memref<1x128xi32, #tpu.memory_space<vmem>>
        %dma_wait3A_22 = tpu.memref_squeeze %dma_wait3A_21 : memref<1x128xi32, #tpu.memory_space<vmem>> -> memref<128xi32, #tpu.memory_space<vmem>>
        %dma_wait3A_23 = arith.constant 0 : i32
        %dma_wait3A_24 = arith.constant 0 : i32
        %dma_wait3A_25 = tpu.memref_slice %arg2[%dma_wait3A_23, %dma_wait3A_24] : memref<10112x128xf32, #tpu.memory_space<hbm>> -> memref<10112x128xf32, #tpu.memory_space<hbm>>
        tpu.wait_indirect_dma semaphore(%run_scoped3A : memref<!tpu.dma_semaphore, #tpu.memory_space<semaphore_mem>>) src(%dma_wait3A_25 : memref<10112x128xf32, #tpu.memory_space<hbm>>) dst(%arg9 : memref<128x128xf32, #tpu.memory_space<vmem>>)
        tpu.yield
      }) : () -> ()
      "tpu.region"() ({
        %run_scoped3A = tpu.sem_alloc : memref<!tpu.dma_semaphore, #tpu.memory_space<semaphore_mem>>
        %dma_start3A = arith.constant 0 : i32
        %dma_start3A_16 = tpu.memref_slice %arg8[%while3A_15, %dma_start3A] : memref<80x128xi32, #tpu.memory_space<vmem>> -> memref<1x128xi32, #tpu.memory_space<vmem>>
        %dma_start3A_17 = tpu.memref_squeeze %dma_start3A_16 : memref<1x128xi32, #tpu.memory_space<vmem>> -> memref<128xi32, #tpu.memory_space<vmem>>
        %dma_start3A_18 = arith.constant 0 : i32
        %dma_start3A_19 = arith.constant 0 : i32
        %dma_start3A_20 = tpu.memref_slice %arg10[%dma_start3A_18, %dma_start3A_19] : memref<10112x128xf32, #tpu.memory_space<vmem_shared>> -> memref<10112x128xf32, #tpu.memory_space<vmem_shared>>
        tpu.enqueue_indirect_dma source(%arg9 : memref<128x128xf32, #tpu.memory_space<vmem>>) target(%dma_start3A_20 : memref<10112x128xf32, #tpu.memory_space<vmem_shared>>) offsets(%dma_start3A_17 : memref<128xi32, #tpu.memory_space<vmem>>) semaphore(%run_scoped3A : memref<!tpu.dma_semaphore, #tpu.memory_space<semaphore_mem>>) {add = true}
        %dma_wait3A = arith.constant 0 : i32
        %dma_wait3A_21 = tpu.memref_slice %arg8[%while3A_15, %dma_wait3A] : memref<80x128xi32, #tpu.memory_space<vmem>> -> memref<1x128xi32, #tpu.memory_space<vmem>>
        %dma_wait3A_22 = tpu.memref_squeeze %dma_wait3A_21 : memref<1x128xi32, #tpu.memory_space<vmem>> -> memref<128xi32, #tpu.memory_space<vmem>>
        %dma_wait3A_23 = arith.constant 0 : i32
        %dma_wait3A_24 = arith.constant 0 : i32
        %dma_wait3A_25 = tpu.memref_slice %arg10[%dma_wait3A_23, %dma_wait3A_24] : memref<10112x128xf32, #tpu.memory_space<vmem_shared>> -> memref<10112x128xf32, #tpu.memory_space<vmem_shared>>
        tpu.wait_indirect_dma semaphore(%run_scoped3A : memref<!tpu.dma_semaphore, #tpu.memory_space<semaphore_mem>>) src(%arg9 : memref<128x128xf32, #tpu.memory_space<vmem>>) dst(%dma_wait3A_25 : memref<10112x128xf32, #tpu.memory_space<vmem_shared>>)
        tpu.yield
      }) : () -> ()
    }
    %while3A_13 = arith.constant 1 : i32
    scf.for %while3A_15 = %while3A_11 to %while3A_7 step %while3A_13  : i32 {
      "tpu.region"() ({
        %run_scoped3A = tpu.sem_alloc : memref<!tpu.dma_semaphore, #tpu.memory_space<semaphore_mem>>
        %dma_start3A = arith.constant 0 : i32
        %dma_start3A_16 = tpu.memref_slice %arg7[%while3A_15, %dma_start3A] : memref<80x128xi32, #tpu.memory_space<vmem>> -> memref<1x128xi32, #tpu.memory_space<vmem>>
        %dma_start3A_17 = tpu.memref_squeeze %dma_start3A_16 : memref<1x128xi32, #tpu.memory_space<vmem>> -> memref<128xi32, #tpu.memory_space<vmem>>
        %dma_start3A_18 = arith.constant 0 : i32
        %dma_start3A_19 = arith.constant 0 : i32
        %dma_start3A_20 = tpu.memref_slice %arg2[%dma_start3A_18, %dma_start3A_19] : memref<10112x128xf32, #tpu.memory_space<hbm>> -> memref<10112x128xf32, #tpu.memory_space<hbm>>
        tpu.enqueue_indirect_dma source(%dma_start3A_20 : memref<10112x128xf32, #tpu.memory_space<hbm>>) target(%arg9 : memref<128x128xf32, #tpu.memory_space<vmem>>) offsets(%dma_start3A_17 : memref<128xi32, #tpu.memory_space<vmem>>) semaphore(%run_scoped3A : memref<!tpu.dma_semaphore, #tpu.memory_space<semaphore_mem>>)
        %dma_wait3A = arith.constant 0 : i32
        %dma_wait3A_21 = tpu.memref_slice %arg7[%while3A_15, %dma_wait3A] : memref<80x128xi32, #tpu.memory_space<vmem>> -> memref<1x128xi32, #tpu.memory_space<vmem>>
        %dma_wait3A_22 = tpu.memref_squeeze %dma_wait3A_21 : memref<1x128xi32, #tpu.memory_space<vmem>> -> memref<128xi32, #tpu.memory_space<vmem>>
        %dma_wait3A_23 = arith.constant 0 : i32
        %dma_wait3A_24 = arith.constant 0 : i32
        %dma_wait3A_25 = tpu.memref_slice %arg2[%dma_wait3A_23, %dma_wait3A_24] : memref<10112x128xf32, #tpu.memory_space<hbm>> -> memref<10112x128xf32, #tpu.memory_space<hbm>>
        tpu.wait_indirect_dma semaphore(%run_scoped3A : memref<!tpu.dma_semaphore, #tpu.memory_space<semaphore_mem>>) src(%dma_wait3A_25 : memref<10112x128xf32, #tpu.memory_space<hbm>>) dst(%arg9 : memref<128x128xf32, #tpu.memory_space<vmem>>)
        tpu.yield
      }) : () -> ()
      "tpu.region"() ({
        %run_scoped3A = tpu.sem_alloc : memref<!tpu.dma_semaphore, #tpu.memory_space<semaphore_mem>>
        %dma_start3A = arith.constant 0 : i32
        %dma_start3A_16 = tpu.memref_slice %arg8[%while3A_15, %dma_start3A] : memref<80x128xi32, #tpu.memory_space<vmem>> -> memref<1x128xi32, #tpu.memory_space<vmem>>
        %dma_start3A_17 = tpu.memref_squeeze %dma_start3A_16 : memref<1x128xi32, #tpu.memory_space<vmem>> -> memref<128xi32, #tpu.memory_space<vmem>>
        %dma_start3A_18 = arith.constant 0 : i32
        %dma_start3A_19 = arith.constant 0 : i32
        %dma_start3A_20 = tpu.memref_slice %arg10[%dma_start3A_18, %dma_start3A_19] : memref<10112x128xf32, #tpu.memory_space<vmem_shared>> -> memref<10112x128xf32, #tpu.memory_space<vmem_shared>>
        tpu.enqueue_indirect_dma source(%arg9 : memref<128x128xf32, #tpu.memory_space<vmem>>) target(%dma_start3A_20 : memref<10112x128xf32, #tpu.memory_space<vmem_shared>>) offsets(%dma_start3A_17 : memref<128xi32, #tpu.memory_space<vmem>>) semaphore(%run_scoped3A : memref<!tpu.dma_semaphore, #tpu.memory_space<semaphore_mem>>) {add = true}
        %dma_wait3A = arith.constant 0 : i32
        %dma_wait3A_21 = tpu.memref_slice %arg8[%while3A_15, %dma_wait3A] : memref<80x128xi32, #tpu.memory_space<vmem>> -> memref<1x128xi32, #tpu.memory_space<vmem>>
        %dma_wait3A_22 = tpu.memref_squeeze %dma_wait3A_21 : memref<1x128xi32, #tpu.memory_space<vmem>> -> memref<128xi32, #tpu.memory_space<vmem>>
        %dma_wait3A_23 = arith.constant 0 : i32
        %dma_wait3A_24 = arith.constant 0 : i32
        %dma_wait3A_25 = tpu.memref_slice %arg10[%dma_wait3A_23, %dma_wait3A_24] : memref<10112x128xf32, #tpu.memory_space<vmem_shared>> -> memref<10112x128xf32, #tpu.memory_space<vmem_shared>>
        tpu.wait_indirect_dma semaphore(%run_scoped3A : memref<!tpu.dma_semaphore, #tpu.memory_space<semaphore_mem>>) src(%arg9 : memref<128x128xf32, #tpu.memory_space<vmem>>) dst(%dma_wait3A_25 : memref<10112x128xf32, #tpu.memory_space<vmem_shared>>)
        tpu.yield
      }) : () -> ()
    }
    %barrier3A_14 = arith.constant 0 : index
    tpu.barrier barrier_id(%barrier3A_14)
    "tpu.region"() ({
      %run_scoped3A = tpu.sem_alloc : memref<!tpu.dma_semaphore, #tpu.memory_space<semaphore_mem>>
      %dma_start3A = arith.constant 0 : i32
      %dma_start3A_15 = tpu.memref_slice %arg6[%arg0, %mul3A_2, %dma_start3A] : memref<2x10112x128xf32, #tpu.memory_space<hbm>> -> memref<1x632x128xf32, #tpu.memory_space<hbm>>
      %dma_start3A_16 = tpu.memref_squeeze %dma_start3A_15 : memref<1x632x128xf32, #tpu.memory_space<hbm>> -> memref<632x128xf32, #tpu.memory_space<hbm>>
      %dma_start3A_17 = arith.constant 0 : i32
      %dma_start3A_18 = tpu.memref_slice %arg10[%mul3A_2, %dma_start3A_17] : memref<10112x128xf32, #tpu.memory_space<vmem_shared>> -> memref<632x128xf32, #tpu.memory_space<vmem_shared>>
      tpu.enqueue_dma source(%dma_start3A_18 : memref<632x128xf32, #tpu.memory_space<vmem_shared>>) target(%dma_start3A_16 : memref<632x128xf32, #tpu.memory_space<hbm>>) target_semaphore(%run_scoped3A : memref<!tpu.dma_semaphore, #tpu.memory_space<semaphore_mem>>)
      %dma_wait3A = arith.constant 0 : i32
      %dma_wait3A_19 = tpu.memref_slice %arg6[%arg0, %mul3A_2, %dma_wait3A] : memref<2x10112x128xf32, #tpu.memory_space<hbm>> -> memref<1x632x128xf32, #tpu.memory_space<hbm>>
      %dma_wait3A_20 = tpu.memref_squeeze %dma_wait3A_19 : memref<1x632x128xf32, #tpu.memory_space<hbm>> -> memref<632x128xf32, #tpu.memory_space<hbm>>
      %dma_wait3A_21 = arith.constant 0 : i32
      %dma_wait3A_22 = tpu.memref_slice %arg10[%mul3A_2, %dma_wait3A_21] : memref<10112x128xf32, #tpu.memory_space<vmem_shared>> -> memref<632x128xf32, #tpu.memory_space<vmem_shared>>
      tpu.wait_dma2 semaphore(%run_scoped3A : memref<!tpu.dma_semaphore, #tpu.memory_space<semaphore_mem>>) src(%dma_wait3A_22 : memref<632x128xf32, #tpu.memory_space<vmem_shared>>) dst(%dma_wait3A_20 : memref<632x128xf32, #tpu.memory_space<hbm>>)
      tpu.yield
    }) : () -> ()
    return
  }
}

module attributes {stable_mosaic.version = 14 : i64} {
  func.func @_mm1_body(%arg0: i32, %arg1: memref<1264x128xf32, #tpu.memory_space<vmem>>, %arg2: memref<128x128xf32, #tpu.memory_space<vmem>>, %arg3: memref<128x128xf32, #tpu.memory_space<vmem>>, %arg4: memref<128x128xf32, #tpu.memory_space<vmem>>, %arg5: memref<1x128xf32, #tpu.memory_space<vmem>>, %arg6: memref<1264x128xf32, #tpu.memory_space<vmem>>, %arg7: memref<1264x128xf32, #tpu.memory_space<vmem>>, %arg8: memref<1264x128xf32, #tpu.memory_space<vmem>>) attributes {dimension_semantics = [#tpu.dimension_semantics<arbitrary>], iteration_bounds = array<i64: 8>, scalar_prefetch = 0 : i64, scratch_operands = 0 : i64, tpu.core_type = #tpu.core_type<tc>, window_params = [{transform_indices = @transform_0, window_bounds = array<i64: 1264, 128>}, {pipeline_mode = #tpu.pipeline_mode<synchronous>, transform_indices = @transform_1, window_bounds = array<i64: 128, 128>}, {pipeline_mode = #tpu.pipeline_mode<synchronous>, transform_indices = @transform_2, window_bounds = array<i64: 128, 128>}, {pipeline_mode = #tpu.pipeline_mode<synchronous>, transform_indices = @transform_3, window_bounds = array<i64: 128, 128>}, {pipeline_mode = #tpu.pipeline_mode<synchronous>, transform_indices = @transform_4, window_bounds = array<i64: 1, 128>}, {transform_indices = @transform_5, window_bounds = array<i64: 1264, 128>}, {transform_indices = @transform_6, window_bounds = array<i64: 1264, 128>}, {transform_indices = @transform_7, window_bounds = array<i64: 1264, 128>}]} {
    %get3A = arith.constant 0 : index
    %get3A_0 = arith.constant 0 : index
    %get3A_1 = vector.load %arg1[%get3A, %get3A_0] : memref<1264x128xf32, #tpu.memory_space<vmem>>, vector<1264x128xf32>
    %get3A_2 = arith.constant 0 : index
    %get3A_3 = arith.constant 0 : index
    %get3A_4 = vector.load %arg2[%get3A_2, %get3A_3] : memref<128x128xf32, #tpu.memory_space<vmem>>, vector<128x128xf32>
    %dot_general3A = arith.constant dense<0.000000e+00> : vector<1264x128xf32>
    %dot_general3A_5 = tpu.matmul %get3A_1, %get3A_4, %dot_general3A {dimension_numbers = #tpu.dot_dimension_numbers<[1], [0], [0], [1], [0, 0, 1, 1], [], []>, transpose_lhs_hint = false} : vector<1264x128xf32>, vector<128x128xf32>, vector<1264x128xf32> -> vector<1264x128xf32>
    %swap3A = arith.constant 0 : index
    %swap3A_6 = arith.constant 0 : index
    %swap3A_7 = vector.load %arg6[%swap3A, %swap3A_6] : memref<1264x128xf32, #tpu.memory_space<vmem>>, vector<1264x128xf32>
    tpu.vector_store %arg6[%swap3A, %swap3A_6], %dot_general3A_5 {strides = array<i32>} : memref<1264x128xf32, #tpu.memory_space<vmem>>, vector<1264x128xf32>,
    %get3A_8 = arith.constant 0 : index
    %get3A_9 = arith.constant 0 : index
    %get3A_10 = vector.load %arg3[%get3A_8, %get3A_9] : memref<128x128xf32, #tpu.memory_space<vmem>>, vector<128x128xf32>
    %dot_general3A_11 = arith.constant dense<0.000000e+00> : vector<1264x128xf32>
    %dot_general3A_12 = tpu.matmul %get3A_1, %get3A_10, %dot_general3A_11 {dimension_numbers = #tpu.dot_dimension_numbers<[1], [0], [0], [1], [0, 0, 1, 1], [], []>, transpose_lhs_hint = false} : vector<1264x128xf32>, vector<128x128xf32>, vector<1264x128xf32> -> vector<1264x128xf32>
    %swap3A_13 = arith.constant 0 : index
    %swap3A_14 = arith.constant 0 : index
    %swap3A_15 = vector.load %arg7[%swap3A_13, %swap3A_14] : memref<1264x128xf32, #tpu.memory_space<vmem>>, vector<1264x128xf32>
    tpu.vector_store %arg7[%swap3A_13, %swap3A_14], %dot_general3A_12 {strides = array<i32>} : memref<1264x128xf32, #tpu.memory_space<vmem>>, vector<1264x128xf32>,
    %get3A_16 = arith.constant 0 : index
    %get3A_17 = arith.constant 0 : index
    %get3A_18 = vector.load %arg4[%get3A_16, %get3A_17] : memref<128x128xf32, #tpu.memory_space<vmem>>, vector<128x128xf32>
    %dot_general3A_19 = arith.constant dense<0.000000e+00> : vector<1264x128xf32>
    %dot_general3A_20 = tpu.matmul %get3A_1, %get3A_18, %dot_general3A_19 {dimension_numbers = #tpu.dot_dimension_numbers<[1], [0], [0], [1], [0, 0, 1, 1], [], []>, transpose_lhs_hint = false} : vector<1264x128xf32>, vector<128x128xf32>, vector<1264x128xf32> -> vector<1264x128xf32>
    %get3A_21 = arith.constant 0 : index
    %get3A_22 = arith.constant 0 : index
    %get3A_23 = vector.load %arg5[%get3A_21, %get3A_22] : memref<1x128xf32, #tpu.memory_space<vmem>>, vector<1x128xf32>
    %add3A = vector.broadcast %get3A_23 : vector<1x128xf32> to vector<1264x128xf32>
    %add3A_24 = arith.addf %dot_general3A_20, %add3A : vector<1264x128xf32>
    %swap3A_25 = arith.constant 0 : index
    %swap3A_26 = arith.constant 0 : index
    %swap3A_27 = vector.load %arg8[%swap3A_25, %swap3A_26] : memref<1264x128xf32, #tpu.memory_space<vmem>>, vector<1264x128xf32>
    tpu.vector_store %arg8[%swap3A_25, %swap3A_26], %add3A_24 {strides = array<i32>} : memref<1264x128xf32, #tpu.memory_space<vmem>>, vector<1264x128xf32>,
    return
  }
  func.func @transform_0(%arg0: i32) -> (i32, i32) {
    %c0_i32 = arith.constant 0 : i32
    %c0_i32_0 = arith.constant 0 : i32
    return %arg0, %c0_i32 : i32, i32
  }
  func.func @transform_1(%arg0: i32) -> (i32, i32) {
    %c0_i32 = arith.constant 0 : i32
    %c0_i32_0 = arith.constant 0 : i32
    %c0_i32_1 = arith.constant 0 : i32
    return %c0_i32, %c0_i32_0 : i32, i32
  }
  func.func @transform_2(%arg0: i32) -> (i32, i32) {
    %c0_i32 = arith.constant 0 : i32
    %c0_i32_0 = arith.constant 0 : i32
    %c0_i32_1 = arith.constant 0 : i32
    return %c0_i32, %c0_i32_0 : i32, i32
  }
  func.func @transform_3(%arg0: i32) -> (i32, i32) {
    %c0_i32 = arith.constant 0 : i32
    %c0_i32_0 = arith.constant 0 : i32
    %c0_i32_1 = arith.constant 0 : i32
    return %c0_i32, %c0_i32_0 : i32, i32
  }
  func.func @transform_4(%arg0: i32) -> (i32, i32) {
    %c0_i32 = arith.constant 0 : i32
    %c0_i32_0 = arith.constant 0 : i32
    %c0_i32_1 = arith.constant 0 : i32
    return %c0_i32, %c0_i32_0 : i32, i32
  }
  func.func @transform_5(%arg0: i32) -> (i32, i32) {
    %c0_i32 = arith.constant 0 : i32
    %c0_i32_0 = arith.constant 0 : i32
    return %arg0, %c0_i32 : i32, i32
  }
  func.func @transform_6(%arg0: i32) -> (i32, i32) {
    %c0_i32 = arith.constant 0 : i32
    %c0_i32_0 = arith.constant 0 : i32
    return %arg0, %c0_i32 : i32, i32
  }
  func.func @transform_7(%arg0: i32) -> (i32, i32) {
    %c0_i32 = arith.constant 0 : i32
    %c0_i32_0 = arith.constant 0 : i32
    return %arg0, %c0_i32 : i32, i32
  }
}

module attributes {stable_mosaic.version = 14 : i64} {
  func.func @_disb_body(%arg0: i32, %arg1: memref<2x1264x128xf32, #tpu.memory_space<vmem>>, %arg2: memref<1264x128xf32, #tpu.memory_space<vmem>>) attributes {dimension_semantics = [#tpu.dimension_semantics<arbitrary>], iteration_bounds = array<i64: 8>, scalar_prefetch = 0 : i64, scratch_operands = 0 : i64, tpu.core_type = #tpu.core_type<tc>, window_params = [{transform_indices = @transform_0, window_bounds = array<i64: 2, 1264, 128>}, {transform_indices = @transform_1, window_bounds = array<i64: 1264, 128>}]} {
    %get3A = arith.constant 0 : index
    %get3A_0 = arith.constant 0 : index
    %get3A_1 = arith.constant 0 : index
    %get3A_2 = vector.load %arg1[%get3A, %get3A_0, %get3A_1] : memref<2x1264x128xf32, #tpu.memory_space<vmem>>, vector<1x1264x128xf32>
    %get3A_3 = vector.shape_cast %get3A_2 : vector<1x1264x128xf32> to vector<1264x128xf32>
    %get3A_4 = arith.constant 1 : index
    %get3A_5 = arith.constant 0 : index
    %get3A_6 = arith.constant 0 : index
    %get3A_7 = vector.load %arg1[%get3A_4, %get3A_5, %get3A_6] : memref<2x1264x128xf32, #tpu.memory_space<vmem>>, vector<1x1264x128xf32>
    %get3A_8 = vector.shape_cast %get3A_7 : vector<1x1264x128xf32> to vector<1264x128xf32>
    %add3A = arith.addf %get3A_3, %get3A_8 : vector<1264x128xf32>
    %add3A_9 = arith.constant 1.000000e+00 : f32
    %add3A_10 = vector.broadcast %add3A_9 : f32 to vector<1264x128xf32>
    %add3A_11 = arith.addf %add3A, %add3A_10 : vector<1264x128xf32>
    %rsqrt3A = math.rsqrt %add3A_11 : vector<1264x128xf32>
    %swap3A = arith.constant 0 : index
    %swap3A_12 = arith.constant 0 : index
    %swap3A_13 = vector.load %arg2[%swap3A, %swap3A_12] : memref<1264x128xf32, #tpu.memory_space<vmem>>, vector<1264x128xf32>
    tpu.vector_store %arg2[%swap3A, %swap3A_12], %rsqrt3A {strides = array<i32>} : memref<1264x128xf32, #tpu.memory_space<vmem>>, vector<1264x128xf32>,
    return
  }
  func.func @transform_0(%arg0: i32) -> (i32, i32, i32) {
    %c0_i32 = arith.constant 0 : i32
    %c0_i32_0 = arith.constant 0 : i32
    %c0_i32_1 = arith.constant 0 : i32
    return %c0_i32, %arg0, %c0_i32_0 : i32, i32, i32
  }
  func.func @transform_1(%arg0: i32) -> (i32, i32) {
    %c0_i32 = arith.constant 0 : i32
    %c0_i32_0 = arith.constant 0 : i32
    return %arg0, %c0_i32 : i32, i32
  }
}

module attributes {stable_mosaic.version = 14 : i64} {
  func.func @_scale_body(%arg0: i32, %arg1: memref<1264x128xf32, #tpu.memory_space<vmem>>, %arg2: memref<1264x128xf32, #tpu.memory_space<vmem>>, %arg3: memref<1x128xf32, #tpu.memory_space<vmem>>, %arg4: memref<1264x128xf32, #tpu.memory_space<vmem>>, %arg5: memref<1264x128xf32, #tpu.memory_space<vmem>>) attributes {dimension_semantics = [#tpu.dimension_semantics<arbitrary>], iteration_bounds = array<i64: 8>, scalar_prefetch = 0 : i64, scratch_operands = 0 : i64, tpu.core_type = #tpu.core_type<tc>, window_params = [{transform_indices = @transform_0, window_bounds = array<i64: 1264, 128>}, {transform_indices = @transform_1, window_bounds = array<i64: 1264, 128>}, {pipeline_mode = #tpu.pipeline_mode<synchronous>, transform_indices = @transform_2, window_bounds = array<i64: 1, 128>}, {transform_indices = @transform_3, window_bounds = array<i64: 1264, 128>}, {transform_indices = @transform_4, window_bounds = array<i64: 1264, 128>}]} {
    %get3A = arith.constant 0 : index
    %get3A_0 = arith.constant 0 : index
    %get3A_1 = vector.load %arg1[%get3A, %get3A_0] : memref<1264x128xf32, #tpu.memory_space<vmem>>, vector<1264x128xf32>
    %get3A_2 = arith.constant 0 : index
    %get3A_3 = arith.constant 0 : index
    %get3A_4 = vector.load %arg2[%get3A_2, %get3A_3] : memref<1264x128xf32, #tpu.memory_space<vmem>>, vector<1264x128xf32>
    %mul3A = arith.mulf %get3A_4, %get3A_1 : vector<1264x128xf32>
    %swap3A = arith.constant 0 : index
    %swap3A_5 = arith.constant 0 : index
    %swap3A_6 = vector.load %arg4[%swap3A, %swap3A_5] : memref<1264x128xf32, #tpu.memory_space<vmem>>, vector<1264x128xf32>
    tpu.vector_store %arg4[%swap3A, %swap3A_5], %mul3A {strides = array<i32>} : memref<1264x128xf32, #tpu.memory_space<vmem>>, vector<1264x128xf32>,
    %mul3A_7 = arith.mulf %get3A_1, %get3A_1 : vector<1264x128xf32>
    %mul3A_8 = arith.mulf %get3A_4, %mul3A_7 : vector<1264x128xf32>
    %get3A_9 = arith.constant 0 : index
    %get3A_10 = arith.constant 0 : index
    %get3A_11 = vector.load %arg3[%get3A_9, %get3A_10] : memref<1x128xf32, #tpu.memory_space<vmem>>, vector<1x128xf32>
    %add3A = vector.broadcast %get3A_11 : vector<1x128xf32> to vector<1264x128xf32>
    %add3A_12 = arith.addf %mul3A_8, %add3A : vector<1264x128xf32>
    %swap3A_13 = arith.constant 0 : index
    %swap3A_14 = arith.constant 0 : index
    %swap3A_15 = vector.load %arg5[%swap3A_13, %swap3A_14] : memref<1264x128xf32, #tpu.memory_space<vmem>>, vector<1264x128xf32>
    tpu.vector_store %arg5[%swap3A_13, %swap3A_14], %add3A_12 {strides = array<i32>} : memref<1264x128xf32, #tpu.memory_space<vmem>>, vector<1264x128xf32>,
    return
  }
  func.func @transform_0(%arg0: i32) -> (i32, i32) {
    %c0_i32 = arith.constant 0 : i32
    %c0_i32_0 = arith.constant 0 : i32
    return %arg0, %c0_i32 : i32, i32
  }
  func.func @transform_1(%arg0: i32) -> (i32, i32) {
    %c0_i32 = arith.constant 0 : i32
    %c0_i32_0 = arith.constant 0 : i32
    return %arg0, %c0_i32 : i32, i32
  }
  func.func @transform_2(%arg0: i32) -> (i32, i32) {
    %c0_i32 = arith.constant 0 : i32
    %c0_i32_0 = arith.constant 0 : i32
    %c0_i32_1 = arith.constant 0 : i32
    return %c0_i32, %c0_i32_0 : i32, i32
  }
  func.func @transform_3(%arg0: i32) -> (i32, i32) {
    %c0_i32 = arith.constant 0 : i32
    %c0_i32_0 = arith.constant 0 : i32
    return %arg0, %c0_i32 : i32, i32
  }
  func.func @transform_4(%arg0: i32) -> (i32, i32) {
    %c0_i32 = arith.constant 0 : i32
    %c0_i32_0 = arith.constant 0 : i32
    return %arg0, %c0_i32 : i32, i32
  }
}

module attributes {stable_mosaic.version = 14 : i64} {
  func.func @_mid_body(%arg0: i32, %arg1: memref<1264x128xf32, #tpu.memory_space<vmem>>, %arg2: memref<2x1264x128xf32, #tpu.memory_space<vmem>>, %arg3: memref<1264x128xf32, #tpu.memory_space<vmem>>, %arg4: memref<1264x128xf32, #tpu.memory_space<vmem>>, %arg5: memref<1264x128xf32, #tpu.memory_space<vmem>>, %arg6: memref<128x128xf32, #tpu.memory_space<vmem>>, %arg7: memref<1264x128xf32, #tpu.memory_space<vmem>>, %arg8: memref<1264x128xf32, #tpu.memory_space<vmem>>) attributes {dimension_semantics = [#tpu.dimension_semantics<arbitrary>], iteration_bounds = array<i64: 8>, scalar_prefetch = 0 : i64, scratch_operands = 0 : i64, tpu.core_type = #tpu.core_type<tc>, window_params = [{transform_indices = @transform_0, window_bounds = array<i64: 1264, 128>}, {transform_indices = @transform_1, window_bounds = array<i64: 2, 1264, 128>}, {transform_indices = @transform_2, window_bounds = array<i64: 1264, 128>}, {transform_indices = @transform_3, window_bounds = array<i64: 1264, 128>}, {transform_indices = @transform_4, window_bounds = array<i64: 1264, 128>}, {pipeline_mode = #tpu.pipeline_mode<synchronous>, transform_indices = @transform_5, window_bounds = array<i64: 128, 128>}, {transform_indices = @transform_6, window_bounds = array<i64: 1264, 128>}, {transform_indices = @transform_7, window_bounds = array<i64: 1264, 128>}]} {
    %get3A = arith.constant 0 : index
    %get3A_0 = arith.constant 0 : index
    %get3A_1 = vector.load %arg1[%get3A, %get3A_0] : memref<1264x128xf32, #tpu.memory_space<vmem>>, vector<1264x128xf32>
    %get3A_2 = arith.constant 0 : index
    %get3A_3 = arith.constant 0 : index
    %get3A_4 = arith.constant 0 : index
    %get3A_5 = vector.load %arg2[%get3A_2, %get3A_3, %get3A_4] : memref<2x1264x128xf32, #tpu.memory_space<vmem>>, vector<1x1264x128xf32>
    %get3A_6 = vector.shape_cast %get3A_5 : vector<1x1264x128xf32> to vector<1264x128xf32>
    %get3A_7 = arith.constant 1 : index
    %get3A_8 = arith.constant 0 : index
    %get3A_9 = arith.constant 0 : index
    %get3A_10 = vector.load %arg2[%get3A_7, %get3A_8, %get3A_9] : memref<2x1264x128xf32, #tpu.memory_space<vmem>>, vector<1x1264x128xf32>
    %get3A_11 = vector.shape_cast %get3A_10 : vector<1x1264x128xf32> to vector<1264x128xf32>
    %add3A = arith.addf %get3A_6, %get3A_11 : vector<1264x128xf32>
    %mul3A = arith.mulf %get3A_1, %add3A : vector<1264x128xf32>
    %get3A_12 = arith.constant 0 : index
    %get3A_13 = arith.constant 0 : index
    %get3A_14 = vector.load %arg3[%get3A_12, %get3A_13] : memref<1264x128xf32, #tpu.memory_space<vmem>>, vector<1264x128xf32>
    %add3A_15 = arith.addf %mul3A, %get3A_14 : vector<1264x128xf32>
    %max3A = arith.constant 0.000000e+00 : f32
    %max3A_16 = vector.broadcast %max3A : f32 to vector<1264x128xf32>
    %max3A_17 = arith.maximumf %add3A_15, %max3A_16 : vector<1264x128xf32>
    %get3A_18 = arith.constant 0 : index
    %get3A_19 = arith.constant 0 : index
    %get3A_20 = vector.load %arg4[%get3A_18, %get3A_19] : memref<1264x128xf32, #tpu.memory_space<vmem>>, vector<1264x128xf32>
    %get3A_21 = arith.constant 0 : index
    %get3A_22 = arith.constant 0 : index
    %get3A_23 = vector.load %arg6[%get3A_21, %get3A_22] : memref<128x128xf32, #tpu.memory_space<vmem>>, vector<128x128xf32>
    %dot_general3A = arith.constant dense<0.000000e+00> : vector<1264x128xf32>
    %dot_general3A_24 = tpu.matmul %max3A_17, %get3A_23, %dot_general3A {dimension_numbers = #tpu.dot_dimension_numbers<[1], [0], [0], [1], [0, 0, 1, 1], [], []>, transpose_lhs_hint = false} : vector<1264x128xf32>, vector<128x128xf32>, vector<1264x128xf32> -> vector<1264x128xf32>
    %add3A_25 = arith.addf %get3A_20, %dot_general3A_24 : vector<1264x128xf32>
    %mul3A_26 = arith.mulf %add3A_25, %get3A_1 : vector<1264x128xf32>
    %swap3A = arith.constant 0 : index
    %swap3A_27 = arith.constant 0 : index
    %swap3A_28 = vector.load %arg7[%swap3A, %swap3A_27] : memref<1264x128xf32, #tpu.memory_space<vmem>>, vector<1264x128xf32>
    tpu.vector_store %arg7[%swap3A, %swap3A_27], %mul3A_26 {strides = array<i32>} : memref<1264x128xf32, #tpu.memory_space<vmem>>, vector<1264x128xf32>,
    %mul3A_29 = arith.mulf %get3A_1, %get3A_1 : vector<1264x128xf32>
    %mul3A_30 = arith.mulf %add3A_25, %mul3A_29 : vector<1264x128xf32>
    %get3A_31 = arith.constant 0 : index
    %get3A_32 = arith.constant 0 : index
    %get3A_33 = vector.load %arg5[%get3A_31, %get3A_32] : memref<1264x128xf32, #tpu.memory_space<vmem>>, vector<1264x128xf32>
    %add3A_34 = arith.addf %mul3A_30, %get3A_33 : vector<1264x128xf32>
    %swap3A_35 = arith.constant 0 : index
    %swap3A_36 = arith.constant 0 : index
    %swap3A_37 = vector.load %arg8[%swap3A_35, %swap3A_36] : memref<1264x128xf32, #tpu.memory_space<vmem>>, vector<1264x128xf32>
    tpu.vector_store %arg8[%swap3A_35, %swap3A_36], %add3A_34 {strides = array<i32>} : memref<1264x128xf32, #tpu.memory_space<vmem>>, vector<1264x128xf32>,
    return
  }
  func.func @transform_0(%arg0: i32) -> (i32, i32) {
    %c0_i32 = arith.constant 0 : i32
    %c0_i32_0 = arith.constant 0 : i32
    return %arg0, %c0_i32 : i32, i32
  }
  func.func @transform_1(%arg0: i32) -> (i32, i32, i32) {
    %c0_i32 = arith.constant 0 : i32
    %c0_i32_0 = arith.constant 0 : i32
    %c0_i32_1 = arith.constant 0 : i32
    return %c0_i32, %arg0, %c0_i32_0 : i32, i32, i32
  }
  func.func @transform_2(%arg0: i32) -> (i32, i32) {
    %c0_i32 = arith.constant 0 : i32
    %c0_i32_0 = arith.constant 0 : i32
    return %arg0, %c0_i32 : i32, i32
  }
  func.func @transform_3(%arg0: i32) -> (i32, i32) {
    %c0_i32 = arith.constant 0 : i32
    %c0_i32_0 = arith.constant 0 : i32
    return %arg0, %c0_i32 : i32, i32
  }
  func.func @transform_4(%arg0: i32) -> (i32, i32) {
    %c0_i32 = arith.constant 0 : i32
    %c0_i32_0 = arith.constant 0 : i32
    return %arg0, %c0_i32 : i32, i32
  }
  func.func @transform_5(%arg0: i32) -> (i32, i32) {
    %c0_i32 = arith.constant 0 : i32
    %c0_i32_0 = arith.constant 0 : i32
    %c0_i32_1 = arith.constant 0 : i32
    return %c0_i32, %c0_i32_0 : i32, i32
  }
  func.func @transform_6(%arg0: i32) -> (i32, i32) {
    %c0_i32 = arith.constant 0 : i32
    %c0_i32_0 = arith.constant 0 : i32
    return %arg0, %c0_i32 : i32, i32
  }
  func.func @transform_7(%arg0: i32) -> (i32, i32) {
    %c0_i32 = arith.constant 0 : i32
    %c0_i32_0 = arith.constant 0 : i32
    return %arg0, %c0_i32 : i32, i32
  }
}

module attributes {stable_mosaic.version = 14 : i64} {
  func.func @_fin_body(%arg0: i32, %arg1: memref<1264x128xf32, #tpu.memory_space<vmem>>, %arg2: memref<2x1264x128xf32, #tpu.memory_space<vmem>>, %arg3: memref<1264x128xf32, #tpu.memory_space<vmem>>, %arg4: memref<1264x128xf32, #tpu.memory_space<vmem>>) attributes {dimension_semantics = [#tpu.dimension_semantics<arbitrary>], iteration_bounds = array<i64: 8>, scalar_prefetch = 0 : i64, scratch_operands = 0 : i64, tpu.core_type = #tpu.core_type<tc>, window_params = [{transform_indices = @transform_0, window_bounds = array<i64: 1264, 128>}, {transform_indices = @transform_1, window_bounds = array<i64: 2, 1264, 128>}, {transform_indices = @transform_2, window_bounds = array<i64: 1264, 128>}, {transform_indices = @transform_3, window_bounds = array<i64: 1264, 128>}]} {
    %get3A = arith.constant 0 : index
    %get3A_0 = arith.constant 0 : index
    %get3A_1 = vector.load %arg1[%get3A, %get3A_0] : memref<1264x128xf32, #tpu.memory_space<vmem>>, vector<1264x128xf32>
    %get3A_2 = arith.constant 0 : index
    %get3A_3 = arith.constant 0 : index
    %get3A_4 = arith.constant 0 : index
    %get3A_5 = vector.load %arg2[%get3A_2, %get3A_3, %get3A_4] : memref<2x1264x128xf32, #tpu.memory_space<vmem>>, vector<1x1264x128xf32>
    %get3A_6 = vector.shape_cast %get3A_5 : vector<1x1264x128xf32> to vector<1264x128xf32>
    %get3A_7 = arith.constant 1 : index
    %get3A_8 = arith.constant 0 : index
    %get3A_9 = arith.constant 0 : index
    %get3A_10 = vector.load %arg2[%get3A_7, %get3A_8, %get3A_9] : memref<2x1264x128xf32, #tpu.memory_space<vmem>>, vector<1x1264x128xf32>
    %get3A_11 = vector.shape_cast %get3A_10 : vector<1x1264x128xf32> to vector<1264x128xf32>
    %add3A = arith.addf %get3A_6, %get3A_11 : vector<1264x128xf32>
    %mul3A = arith.mulf %get3A_1, %add3A : vector<1264x128xf32>
    %get3A_12 = arith.constant 0 : index
    %get3A_13 = arith.constant 0 : index
    %get3A_14 = vector.load %arg3[%get3A_12, %get3A_13] : memref<1264x128xf32, #tpu.memory_space<vmem>>, vector<1264x128xf32>
    %add3A_15 = arith.addf %mul3A, %get3A_14 : vector<1264x128xf32>
    %swap3A = arith.constant 0 : index
    %swap3A_16 = arith.constant 0 : index
    %swap3A_17 = vector.load %arg4[%swap3A, %swap3A_16] : memref<1264x128xf32, #tpu.memory_space<vmem>>, vector<1264x128xf32>
    tpu.vector_store %arg4[%swap3A, %swap3A_16], %add3A_15 {strides = array<i32>} : memref<1264x128xf32, #tpu.memory_space<vmem>>, vector<1264x128xf32>,
    return
  }
  func.func @transform_0(%arg0: i32) -> (i32, i32) {
    %c0_i32 = arith.constant 0 : i32
    %c0_i32_0 = arith.constant 0 : i32
    return %arg0, %c0_i32 : i32, i32
  }
  func.func @transform_1(%arg0: i32) -> (i32, i32, i32) {
    %c0_i32 = arith.constant 0 : i32
    %c0_i32_0 = arith.constant 0 : i32
    %c0_i32_1 = arith.constant 0 : i32
    return %c0_i32, %arg0, %c0_i32_0 : i32, i32, i32
  }
  func.func @transform_2(%arg0: i32) -> (i32, i32) {
    %c0_i32 = arith.constant 0 : i32
    %c0_i32_0 = arith.constant 0 : i32
    return %arg0, %c0_i32 : i32, i32
  }
  func.func @transform_3(%arg0: i32) -> (i32, i32) {
    %c0_i32 = arith.constant 0 : i32
    %c0_i32_0 = arith.constant 0 : i32
    return %arg0, %c0_i32 : i32, i32
  }
}

</mosaic_0001>

<sc_bundles>
// kernel: kernel.10.cloned.1.call-start
scs
__scs_entry_jumppad:
0x0: {  	(pc) =	sbr.rel $0x88, $3  }
0x1: {  	(tag) =	ssettag $0x0;
	lr =	simm.s32 $0x1  }
0x2: {  	[smem:$0x3F9A] =	sst lr;
	_ =	strace $0xD0000000  }
0x3: {  	_ = 	snop  }
0x4: {  	_ = 	snop  }
0x5: {  	_ = 	snop  }
0x6: {  	_ = 	snop  }
0x7: {  	_ = 	snop  }
__scs_overlays_trampoline_lowered:
0x8: {  	[smem:$0x3FA9] =	sst s0  }
0x9: {  	[smem:$0x3FAA] =	sst s1  }
0xa: {  	[smem:$0x3FAB] =	sst s2  }
0xb: {  	[smem:$0x3FAC] =	sst s3  }
0xc: {  	[smem:$0x3FAD] =	sst s4  }
0xd: {  	[smem:$0x3FAE] =	sst s5  }
0xe: {  	[smem:$0x3FAF] =	sst s6  }
0xf: {  	[smem:$0x3FB0] =	sst s7  }
0x10: {  	[smem:$0x3FB1] =	sst s8  }
0x11: {  	[smem:$0x3FB2] =	sst s9;
	s0 =	simm.s32 @!p0 $0x0  }
0x12: {  	s1 =	sld [smem:$0x3F98];
	s0 =	simm.s32 @p0 $0x1  }
0x13: {  	[smem:$0x3FB3] =	sst s0;
	s0 =	simm.s32 @!p1 $0x0  }
0x14: {  	s2 =	sld [smem:$0x3F97];
	s0 =	simm.s32 @p1 $0x1  }
0x15: {  	[smem:$0x3FB4] =	sst s0;
	s0 =	simm.s32 @!p2 $0x0  }
0x16: {  	s3 =	sld [smem:$0x3FDB];
	s0 =	simm.s32 @p2 $0x1  }
0x17: {  	s4 =	simm.s32 $0x1BF5;
	[smem:$0x3FB6] =	sst s0  }
0x18: {  	s0 =	sld [smem:$0x3F99];
	_ =	swait.ge [sflag:s4], $0x0  }
0x19: {  	s7 =	sld [smem:$0x3F9A]  }
0x1a: {  	s8 =	sadd.s32 $0xFFFFE003, lr  }
0x1b: {  	s9 =	sadd.s32 $0xFFFFFEF7, lr;
	s5 =	simm.s32 $0xFFFFFFFF;
	p2 =	slt.u32 s8, $0xFFFFF086  }
0x1c: {  	p1 =	slt.u32 s9, $0xF7A;
	s5 =	simm.s32 @!p2 $0x0  }
0x1d: {  	s5 =	simm.s32 @p1 $0x1;
	p0 =	seq.s32 s7, s2  }
0x1e: {  	s7 =	smul.u32 @!p0 $0xF7A, s2;
	p2 =	seq.s32 @!p0 s5, $0x0  }
0x1f: {  	s9 =	smul.u32 $0xF7A, s1;
	s8 =	simm.s32 @!p0 $0x1BF5;
	p2 =	por !p2, p0  }
0x20: {  	[sflag:s8] =	ssyncset.s32 @!p0 $0xFFFFF086;
	s6 =	sadd.s32 @!p0 s3, s7;
	s7 =	simm.s32 @!p0 $0x108  }
0x21: {  	s3 =	sadd.s32 s3, s9;
	s6 =	sadd.s32 @!p0 $0x88, s6;
	s7 =	simm.s32 @p2 $0x1082  }
0x22: {  	[simem:s7], [sflag:s8] =	dma.local @!p0 [hbm:s6], $0xF7A  }
0x23: {  	s9 =	sor.u32 $0xD0000000, s2;
	s6 =	simm.s32 $0x108;
	_ =	swait.ge @!p0 [sflag:s8], $0x0  }
0x24: {  	s3 =	sadd.s32 $0x88, s3;
	s6 =	simm.s32 @!p1 $0x1082;
	[sflag:s4] =	ssyncset.s32 $0xFFFFF086  }
0x25: {  	[simem:s6], [sflag:s4] =	dma.local [hbm:s3], $0xF7A  }
0x26: {  	[smem:$0x3F9A] =	sst s1;
	(tag) =	ssettag s2;
	_ =	strace s9  }
0x27: {  	s1 =	sld [smem:$0x3FAA]  }
0x28: {  	s2 =	sld [smem:$0x3FAB]  }
0x29: {  	s4 =	sld [smem:$0x3FAD]  }
0x2a: {  	p0 =	seq.s32 s5, $0x0;
	s5 =	sld [smem:$0x3FAE]  }
0x2b: {  	s6 =	sld [smem:$0x3FAF]  }
0x2c: {  	s7 =	sld [smem:$0x3FB0]  }
0x2d: {  	s3 =	simm.s32 $0x108;
	s8 =	sld [smem:$0x3FB1]  }
0x2e: {  	s3 =	simm.s32 @!p0 $0x1082;
	s9 =	sld [smem:$0x3FB2]  }
0x2f: {  	lr =	sadd.s32 s0, s3;
	s0 =	sld [smem:$0x3FA9]  }
0x30: {  	s3 =	sld [smem:$0x3FAC]  }
0x31: {  	[smem:$0x3FB5] =	sst s10  }
0x32: {  	s10 =	sld [smem:$0x3FB3];
	_ =	sdelay $0x3  }
0x33: {  	p0 =	seq.s32 s10, $0x1;
	s10 =	sld [smem:$0x3FB5];
	_ =	sdelay $0x3  }
0x34: {  	[smem:$0x3FB5] =	sst s10  }
0x35: {  	s10 =	sld [smem:$0x3FB4];
	_ =	sdelay $0x3  }
0x36: {  	p1 =	seq.s32 s10, $0x1;
	s10 =	sld [smem:$0x3FB5];
	_ =	sdelay $0x3  }
0x37: {  	[smem:$0x3FB5] =	sst s10  }
0x38: {  	s10 =	sld [smem:$0x3FB6]  }
0x39: {  	_ = 	snop;
	(pc) =	sbr.ind lr, $3  }
0x3a: {  	_ = 	snop  }
0x3b: {  	_ = 	snop  }
0x3c: {  	p2 =	seq.s32 s10, $0x1;
	s10 =	sld [smem:$0x3FB5]  }
0x3d: {  	_ =	shalt  }
0x3e: {  	_ =	shalt  }
0x3f: {  	_ =	shalt  }
0x40: {  	_ =	shalt  }
0x41: {  	_ =	shalt  }
0x42: {  	_ =	shalt  }
0x43: {  	_ =	shalt  }
0x44: {  	_ =	shalt  }
0x45: {  	_ =	shalt  }
0x46: {  	_ =	shalt  }
0x47: {  	_ =	shalt  }
0x48: {  	_ =	shalt  }
0x49: {  	_ =	shalt  }
0x4a: {  	_ =	shalt  }
0x4b: {  	_ =	shalt  }
0x4c: {  	_ =	shalt  }
0x4d: {  	_ =	shalt  }
0x4e: {  	_ =	shalt  }
0x4f: {  	_ =	shalt  }
0x50: {  	_ =	shalt  }
0x51: {  	_ =	shalt  }
0x52: {  	_ =	shalt  }
0x53: {  	_ =	shalt  }
0x54: {  	_ =	shalt  }
0x55: {  	_ =	shalt  }
0x56: {  	_ =	shalt  }
0x57: {  	_ =	shalt  }
0x58: {  	_ =	shalt  }
0x59: {  	_ =	shalt  }
0x5a: {  	_ =	shalt  }
0x5b: {  	_ =	shalt  }
0x5c: {  	_ =	shalt  }
0x5d: {  	_ =	shalt  }
0x5e: {  	_ =	shalt  }
0x5f: {  	_ =	shalt  }
0x60: {  	_ =	shalt  }
0x61: {  	_ =	shalt  }
0x62: {  	_ =	shalt  }
0x63: {  	_ =	shalt  }
0x64: {  	_ =	shalt  }
0x65: {  	_ =	shalt  }
0x66: {  	_ =	shalt  }
0x67: {  	_ =	shalt  }
0x68: {  	_ =	shalt  }
0x69: {  	_ =	shalt  }
0x6a: {  	_ =	shalt  }
0x6b: {  	_ =	shalt  }
0x6c: {  	_ =	shalt  }
0x6d: {  	_ =	shalt  }
0x6e: {  	_ =	shalt  }
0x6f: {  	_ =	shalt  }
0x70: {  	_ =	shalt  }
0x71: {  	_ =	shalt  }
0x72: {  	_ =	shalt  }
0x73: {  	_ =	shalt  }
0x74: {  	_ =	shalt  }
0x75: {  	_ =	shalt  }
0x76: {  	_ =	shalt  }
0x77: {  	_ =	shalt  }
0x78: {  	_ =	shalt  }
0x79: {  	_ =	shalt  }
0x7a: {  	_ =	shalt  }
0x7b: {  	_ =	shalt  }
0x7c: {  	_ =	shalt  }
0x7d: {  	_ =	shalt  }
0x7e: {  	_ =	shalt  }
0x7f: {  	_ =	shalt  }
0x80: {  	_ =	shalt  }
0x81: {  	_ =	shalt  }
0x82: {  	_ =	shalt  }
0x83: {  	_ =	shalt  }
0x84: {  	_ =	shalt  }
0x85: {  	_ =	shalt  }
0x86: {  	_ =	shalt  }
0x87: {  	_ =	shalt  }
.Lfunc_end0:
.L_simem_size_0:
called_computation_lowered:
.L_overlay_start_0:
0x88: {  	s2 =	sld [smem:$0x3FD9]  }
0x89: {  	s3 =	sld [smem:$0x3FFE];
	_ =	sdelay $0x1  }
0x8a: {  	s1 =	srdreg.scid  }
0x8b: {  	s0 =	sand.u32 $0x1, s1  }
0x8c: {  	s17 =	sshll.u32 s0, $0xA;
	s2 =	sadd.s32 s3, s2  }
0x8d: {  	s2 =	sadd.s32 s2, s17  }
0x8e: {  	[smem:$0x3FC1] =	sst s2  }
0x8f: {  	_ = 	snop  }
0x90: {  	s2 =	sld [smem:$0x3FD0];
	(tm) =	ssettm $0x1  }
0x91: {  	s18 =	sld [smem:$0x3FFB];
	_ =	sdelay $0x3  }
0x92: {  	_ =	strace s18  }
0x93: {  	s3 =	sld [smem:$0x3FFC];
	_ =	sdelay $0x3  }
0x94: {  	_ =	strace s3  }
0x95: {  	s3 =	sld [smem:$0x3FFD];
	_ =	sdelay $0x3  }
0x96: {  	_ =	strace s3  }
0x97: {  	_ =	strace $0x8FFFFFFF  }
0x98: {  	s19 =	sld [smem:$0x3FDB];
	_ =	sdelay $0x1  }
0x99: {  	s4 =	simm.s32 $_scs_section_size  }
0x9a: {  	s5 =	simm.s32 $_size__tile_overlayer_lowered;
	s6 =	simm.s32 $_tile_overlayer_lowered  }
0x9b: {  	s22 =	simm.s32 $0x1BFF;
	s21 =	sshll.u32 s6, $0x1;
	s3 =	sadd.s32 s4, s19  }
0x9c: {  	s7 =	simm.s32 $0x0;
	s20 =	sshll.u32 s5, $0x1;
	s5 =	sadd.s32 s21, s3  }
0x9d: {  	[timem:s7], [sflag:s22] =	dma.local [hbm:s5], s20  }
0x9e: {  	_ =	swait.ge [sflag:s22], s20  }
0x9f: {  	s4 =	ssub.s32 $0x0, s20;
	[sflag:s22] =	ssyncset.done $0x0  }
0xa0: {  	[sflag:s22] =	ssyncadd.s32 s4;
	_ =	sdelay $0x1  }
0xa1: {  	s23 =	simm.s32 $0x1B8B  }
0xa2: {  	_ =	swait.ge [sflag:s23], $0x1  }
0xa3: {  	[sflag:s23] =	ssyncset.done $0x0  }
0xa4: {  	s25 =	simm.s32 $0x1B8E;
	s24 =	sld [smem:$0x3FFE];
	[sflag:s23] =	ssyncadd.s32 $0xFFFFFFFF  }
0xa5: {  	s26 =	simm.s32 $execute0_lowered;
	[smem:$0x3FD2] =	sst s25  }
0xa6: {  	s5 =	sshll.u32 s26, $0x1;
	_ =	strace $0x80000046;
	[dreg:$0x1] =	wrdreg $0xFFFFFFFF  }
0xa7: {  	s28 =	simm.s32 $_size_execute0_lowered;
	s3 =	sadd.s32 s3, s5;
	[dreg:$0x0] =	wrdreg $0x0  }
0xa8: {  	s5 =	sshll.u32 s28, $0x1;
	[dreg:$0x2] =	wrdreg s3  }
0xa9: {  	[dreg:$0x3] =	wrdreg s5  }
0xaa: {  	[dreg:$0x4] =	wrdreg $0xC0  }
0xab: {  	_ =	task [dreg:s7], $0x5FFFF  }
0xac: {  	[dreg:$0x1] =	wrdreg $0xFFFFFFFF  }
0xad: {  	[dreg:$0x0] =	wrdreg $0x60  }
0xae: {  	[dreg:$0x2] =	wrdreg s2  }
0xaf: {  	[dreg:$0x3] =	wrdreg s24  }
0xb0: {  	[dreg:$0x4] =	wrdreg $0x68000  }
0xb1: {  	[dreg:$0x5] =	wrdreg $0x9  }
0xb2: {  	_ =	task.clear_ibuf [dreg:s7], $0x6FFFF;
	_ =	strace $0x90000046  }
0xb3: {  	s29 =	simm.s32 $0x9;
	_ =	strace $0x80000048  }
0xb4: {  	_ =	swait.ge [sflag:s29], $0x1  }
0xb5: {  	[sflag:s29] =	ssyncadd.s32 $0xFFFFFFFF  }
0xb6: {  	_ =	strace $0x90000048  }
0xb7: {  	_ =	sfence  }
0xb8: {  	s30 =	sld [smem:$0x0];
	_ =	sdelay $0x2  }
0xb9: {  	s31 =	sshll.u32 s1, $0xD;
	s1 =	sshrl.u32 s1, $0x2  }
0xba: {  	s3 =	sand.u32 $0x4000, s31;
	s1 =	sadd.s32 s1, s30  }
0xbb: {  	s0 =	sor.u32 s3, s0;
	s1 =	sshll.u32 s1, $0x11  }
0xbc: {  	s0 =	sor.u32 s1, s0  }
0xbd: {  	s0 =	sadd.s32 $0x8F2B, s0  }
0xbe: {  	[sflag:s0] =	ssyncadd.remote.s32 $0x1  }
0xbf: {  	_ =	sfence.sel $0xFFFF  }
0xc0: {  	[dreg:$0x0] =	wrdreg $0xFFFFFFFF;
	(pc) =	sbr.abs _section_cstart, $3  }
0xc1: {  	[dreg:$0x1] =	wrdreg $0xFFFFFFFF  }
0xc2: {  	_ =	task.clear_ibuf [dreg:s7], $0x2FFFF;
	_ =	strace $0x9FFFFFFF  }
0xc3: {  	(tm) =	ssettm $0x7FFFFFFF  }
tec
execute0_lowered:
.L_overlay_start_1:
0x0: {  	(tag) =	ssettag $0x1  }
0x1: {  	s7 =	rddreg [dreg:$0x0]  }
0x2: {  	s5 =	rddreg [dreg:$0x1];
	s0 =	stileid.u32  }
0x3: {  	s1 =	srdreg.scid;
	s2 =	rddreg [dreg:$0x2]  }
0x4: {  	s3 =	simm.s32 $0x0;
	s13 =	simm.s32 $0x80;
	s14 =	simm.s32 $0x100  }
0x5: {  	s15 =	simm.s32 $0x180;
	s16 =	simm.s32 $0x1;
	s17 =	simm.s32 $0x0  }
0x6: {  	s4 =	smul.u32 $0x13C00, s0;
	s6 =	sand.u32 $0x1, s1;
	s1 =	rddreg [dreg:$0x3]  }
0x7: {  	[smem:$0x7FF] =	sst s3;
	s11 =	smul.u32 $0x4F000, s0;
	s12 =	sshll.u32 s0, $0x1  }
0x8: {  	s31 =	sshll.u32 s0, $0x6;
	s8 =	smul.u32 $0x13C000, s6;
	_ =	strace $0x80000047  }
0x9: {  	s10 =	ssub.s32 $0x2, s6;
	s6 =	sor.u32 s6, s12;
	s12 =	simm.s32 $0x2800  }
0xa: {  	s9 =	sshrl.u32 s4, $0x3;
	s26 =	sshrl.u32 s10, $0x1;
	s28 =	sshrl.u32 s11, $0x2  }
0xb: {  	s29 =	smul.u32 $0x500, s6;
	s6 =	sor.u32 $0x1C02, s31;
	s11 =	simm.s32 $0x2  }
0xc: {  	s8 =	sadd.s32 s4, s8;
	s4 =	sadd.s32 $0x2E00, s5;
	s9 =	sadd.s32 s9, s5  }
0xd: {  	s10 =	ssub.s32 s10, s26;
	s30 =	sadd.s32 s28, s2;
	s8 =	sshrl.u32 s8, $0x3  }
0xe: {  	s7 =	sadd.s32 s7, s29;
	s8 =	sadd.s32 s8, s5;
	s5 =	sadd.s32 $0x3600, s9  }
0xf: {  	s9 =	smax.u32 s10, $0x1;
	s10 =	sshrl.u32 s30, $0x3;
	s8 =	sadd.s32 $0x2AE00, s8  }
.LBB2_1:
0x10: {  	[spmem:s10], [sflag:s6] =	dma.local [hbm:s5], $0x2780  }
0x11: {  	_ =	swait.ge [sflag:s11], $0x2780  }
0x12: {  	[sflag:s11] =	ssyncset.done $0x0  }
0x13: {  	[sflag:s11] =	ssyncadd.s32 $0xFFFFD880  }
0x14: {  	[tilespmem:s3], [sflag:$0x2] =	stream.linear.gather [hbm4b:s7+s3], $0x2800, $0x38;
	[tilespmem:$0x1A400] =	vst v63  }
0x15: {  	_ =	swait.ge [sflag:s11], $0x2800  }
0x16: {  	[sflag:s11] =	ssyncset.done $0x0  }
0x17: {  	[sflag:s11] =	ssyncadd.s32 $0xFFFFD800  }
0x18: {  	[tilespmem:s12], [sflag:$0x2] =	stream.linear.gather [hbm4b:s4+s3], $0x4000, $0x38;
	[tilespmem:$0x1A400] =	vst v63  }
0x19: {  	_ =	swait.ge [sflag:s11], $0x4000  }
0x1a: {  	[sflag:s11] =	ssyncset.done $0x0  }
0x1b: {  	[sflag:s11] =	ssyncadd.s32 $0xFFFFC000  }
0x1c: {  	[bflag:$0x0] =	sbarrier.arrive $0xFFFF  }
0x1d: {  	[spmem:s2] =	stream.indirect.scatter.add.f32 [tilespmem:s12], [sflag:$0x1], $0x80, s3, s13, $0xb8;
	[tilespmem:$0x1A400] =	vst v63  }
0x1e: {  	_ = 	snop  }
0x1f: {  	[spmem:s2] =	stream.indirect.scatter.add.f32 [tilespmem:s12], [sflag:$0x1], $0x80, s13, s13, $0xb8;
	[tilespmem:$0x1A400] =	vst v63  }
0x20: {  	_ = 	snop  }
0x21: {  	[spmem:s2] =	stream.indirect.scatter.add.f32 [tilespmem:s12], [sflag:$0x1], $0x80, s14, s13, $0xb8;
	[tilespmem:$0x1A400] =	vst v63  }
0x22: {  	_ = 	snop  }
0x23: {  	[spmem:s2] =	stream.indirect.scatter.add.f32 [tilespmem:s12], [sflag:$0x1], $0x80, s15, s13, $0xb8;
	[tilespmem:$0x1A400] =	vst v63  }
0x24: {  	s18 =	simm.s32 $0x200  }
0x25: {  	[spmem:s2] =	stream.indirect.scatter.add.f32 [tilespmem:s12], [sflag:$0x1], $0x80, s18, s13, $0xb8;
	[tilespmem:$0x1A400] =	vst v63  }
0x26: {  	s29 =	simm.s32 $0x280  }
0x27: {  	[spmem:s2] =	stream.indirect.scatter.add.f32 [tilespmem:s12], [sflag:$0x1], $0x80, s29, s13, $0xb8;
	[tilespmem:$0x1A400] =	vst v63  }
0x28: {  	s30 =	simm.s32 $0x300  }
0x29: {  	[spmem:s2] =	stream.indirect.scatter.add.f32 [tilespmem:s12], [sflag:$0x1], $0x80, s30, s13, $0xb8;
	[tilespmem:$0x1A400] =	vst v63  }
0x2a: {  	s31 =	simm.s32 $0x380  }
0x2b: {  	[spmem:s2] =	stream.indirect.scatter.add.f32 [tilespmem:s12], [sflag:$0x1], $0x80, s31, s13, $0xb8;
	[tilespmem:$0x1A400] =	vst v63  }
0x2c: {  	_ =	swait.ge [sflag:s16], $0x4000  }
0x2d: {  	[sflag:s16] =	ssyncset.done $0x0  }
0x2e: {  	[sflag:s16] =	ssyncadd.s32 $0xFFFFC000  }
0x2f: {  	_ =	swait.ge [sflag:s16], $0x4000  }
0x30: {  	[sflag:s16] =	ssyncset.done $0x0  }
0x31: {  	[sflag:s16] =	ssyncadd.s32 $0xFFFFC000  }
0x32: {  	_ =	swait.ge [sflag:s16], $0x4000  }
0x33: {  	[sflag:s16] =	ssyncset.done $0x0  }
0x34: {  	[sflag:s16] =	ssyncadd.s32 $0xFFFFC000  }
0x35: {  	_ =	swait.ge [sflag:s16], $0x4000  }
0x36: {  	s19 =	simm.s32 $0xFFFF7800;
	s18 =	simm.s32 $0xFFFFDC00;
	[sflag:s16] =	ssyncset.done $0x0  }
.LBB2_2:
0x37: {  	s20 =	sadd.s32 $0x2800, s18  }
0x38: {  	[sflag:s16] =	ssyncadd.s32 $0xFFFFC000;
	s21 =	smov.u32 s19;
	s22 =	sadd.s32 $0x800, s19  }
0x39: {  	[spmem:s2] =	stream.indirect.scatter.add.f32 [tilespmem:s12], [sflag:$0x1], $0x80, s20, s13, $0xb8;
	[tilespmem:$0x1A400] =	vst v63  }
0x3a: {  	p0 =	sne.s32 s19, $0xFFFFF800;
	s19 =	sadd.s32 $0x2880, s18  }
0x3b: {  	[spmem:s2] =	stream.indirect.scatter.add.f32 [tilespmem:s12], [sflag:$0x1], $0x80, s19, s13, $0xb8;
	[tilespmem:$0x1A400] =	vst v63  }
0x3c: {  	s19 =	sadd.s32 $0x2900, s18  }
0x3d: {  	[spmem:s2] =	stream.indirect.scatter.add.f32 [tilespmem:s12], [sflag:$0x1], $0x80, s19, s13, $0xb8;
	[tilespmem:$0x1A400] =	vst v63  }
0x3e: {  	s18 =	sadd.s32 $0x2980, s18  }
0x3f: {  	[spmem:s2] =	stream.indirect.scatter.add.f32 [tilespmem:s12], [sflag:$0x1], $0x80, s18, s13, $0xb8;
	[tilespmem:$0x1A400] =	vst v63  }
0x40: {  	_ =	swait.ge [sflag:s16], $0x4000  }
0x41: {  	[sflag:s16] =	ssyncset.done $0x0  }
0x42: {  	[sflag:s16] =	ssyncadd.s32 $0xFFFFC000  }
0x43: {  	_ =	swait.ge [sflag:s16], $0x4000  }
0x44: {  	[sflag:s16] =	ssyncset.done $0x0  }
0x45: {  	[sflag:s16] =	ssyncadd.s32 $0xFFFFC000  }
.Ltmp0:
0x46: {  	_ =	swait.ge [sflag:s16], $0x4000;
	(pc) =	sbr.rel @p0 .LBB2_2-.Ltmp0, $4  }
0x47: {  	[sflag:s16] =	ssyncset.done $0x0  }
0x48: {  	[sflag:s16] =	ssyncadd.s32 $0xFFFFC000  }
0x49: {  	_ =	swait.ge [sflag:s16], $0x4000  }
0x4a: {  	s19 =	smov.u32 s22;
	s18 =	sshra.s32 s21, $0x2;
	[sflag:s16] =	ssyncset.done $0x0  }
0x4b: {  	s19 =	sadd.s32 $0x2800, s18;
	[sflag:s16] =	ssyncadd.s32 $0xFFFFC000  }
0x4c: {  	[spmem:s2] =	stream.indirect.scatter.add.f32 [tilespmem:s12], [sflag:$0x1], $0x80, s19, s13, $0xb8;
	[tilespmem:$0x1A400] =	vst v63  }
0x4d: {  	s29 =	sadd.s32 $0x2880, s18  }
0x4e: {  	[spmem:s2] =	stream.indirect.scatter.add.f32 [tilespmem:s12], [sflag:$0x1], $0x80, s29, s13, $0xb8;
	[tilespmem:$0x1A400] =	vst v63  }
0x4f: {  	s30 =	sadd.s32 $0x2900, s18  }
0x50: {  	[spmem:s2] =	stream.indirect.scatter.add.f32 [tilespmem:s12], [sflag:$0x1], $0x80, s30, s13, $0xb8;
	[tilespmem:$0x1A400] =	vst v63  }
0x51: {  	s31 =	sadd.s32 $0x2980, s18  }
0x52: {  	[spmem:s2] =	stream.indirect.scatter.add.f32 [tilespmem:s12], [sflag:$0x1], $0x80, s31, s13, $0xb8;
	[tilespmem:$0x1A400] =	vst v63  }
0x53: {  	_ =	swait.ge [sflag:s16], $0x4000  }
0x54: {  	[sflag:s16] =	ssyncset.done $0x0  }
0x55: {  	[sflag:s16] =	ssyncadd.s32 $0xFFFFC000  }
0x56: {  	_ =	swait.ge [sflag:s16], $0x4000  }
0x57: {  	[sflag:s16] =	ssyncset.done $0x0  }
0x58: {  	[sflag:s16] =	ssyncadd.s32 $0xFFFFC000  }
0x59: {  	_ =	swait.ge [sflag:s16], $0x4000  }
0x5a: {  	[sflag:s16] =	ssyncset.done $0x0  }
0x5b: {  	[sflag:s16] =	ssyncadd.s32 $0xFFFFC000  }
0x5c: {  	_ =	swait.ge [sflag:s16], $0x4000  }
0x5d: {  	[sflag:s16] =	ssyncset.done $0x0  }
0x5e: {  	[sflag:s16] =	ssyncadd.s32 $0xFFFFC000  }
0x5f: {  	_ =	swait.ge [sflag:s16], $0x4000  }
0x60: {  	[sflag:s16] =	ssyncset.done $0x0  }
0x61: {  	[sflag:s16] =	ssyncadd.s32 $0xFFFFC000  }
0x62: {  	_ =	swait.ge [sflag:s16], $0x4000  }
0x63: {  	[sflag:s16] =	ssyncset.done $0x0  }
0x64: {  	[sflag:s16] =	ssyncadd.s32 $0xFFFFC000  }
0x65: {  	_ =	swait.ge [sflag:s16], $0x4000  }
0x66: {  	[sflag:s16] =	ssyncset.done $0x0  }
0x67: {  	[sflag:s16] =	ssyncadd.s32 $0xFFFFC000  }
0x68: {  	_ =	swait.ge [sflag:s16], $0x4000  }
0x69: {  	s17 =	sadd.s32 $0x1, s17;
	[sflag:s16] =	ssyncset.done $0x0  }
0x6a: {  	p0 =	sne.s32 s17, s9;
	[sflag:s16] =	ssyncadd.s32 $0xFFFFC000  }
.Ltmp1:
0x6b: {  	[bflag:$0x0] =	sbarrier.arrive $0xFFFF;
	(pc) =	sbr.rel @p0 .LBB2_1-.Ltmp1, $4  }
0x6c: {  	[hbm:s8], [sflag:s6] =	dma.local [spmem:s10], $0x2780  }
0x6d: {  	_ =	swait.ge [sflag:s11], $0x2780  }
0x6e: {  	[sflag:s11] =	ssyncset.done $0x0  }
0x6f: {  	[sflag:s11] =	ssyncadd.s32 $0xFFFFD880  }
0x70: {  	_ =	sfence.sel $0x180000  }
0x71: {  	[bflag:$0x0] =	sbarrier.arrive $0xFFFF  }
0x72: {  	p0 =	sne.s32 s0, $0x0;
	_ =	strace $0x90000047  }
0x73: {  	s0 =	sadd.s32 @!p0 $0x100000, s1;
	[bflag:$0x2] =	sbarrier.arrive $0xFFFF  }
0x74: {  	[sflag:s0] =	ssyncadd.tile.s32 @!p0 $0x1;
	_ =	shalt  }
.Lfunc_end2:
_tile_overlayer_lowered:
.L_overlay_start_2:
0x75: {  	(tag) =	ssettag $0x2  }
0x76: {  	s0 =	rddreg [dreg:$0x0];
	s2 =	stileid.u32  }
0x77: {  	s1 =	rddreg [dreg:$0x1];
	p0 =	sne.s32 s2, $0x0  }
0x78: {  	s3 =	rddreg [dreg:$0x2];
	[bflag:$0x3] =	sbarrier.arrive $0xFFFF;
	s2 =	simm.s32 @!p0 $0x1C02  }
0x79: {  	[timem:s3], [sflag:s2] =	dma.local @!p0 [hbm:s0], s1  }
0x7a: {  	s0 =	simm.s32 @!p0 $0x2  }
0x7b: {  	_ =	swait.ge @!p0 [sflag:s0], s1  }
0x7c: {  	s1 =	ssub.s32 @!p0 $0x0, s1;
	[sflag:s0] =	ssyncset.done @!p0 $0x0  }
0x7d: {  	[sflag:s0] =	ssyncadd.s32 @!p0 s1  }
0x7e: {  	[bflag:$0x3] =	sbarrier.arrive $0xFFFF  }
0x7f: {  	_ =	shalt  }

// kernel: kernel.13.cloned.1.call-start
scs
__scs_entry_jumppad:
0x0: {  	(pc) =	sbr.rel $0x88, $3  }
0x1: {  	(tag) =	ssettag $0x0;
	lr =	simm.s32 $0x1  }
0x2: {  	[smem:$0x3F9A] =	sst lr;
	_ =	strace $0xD0000000  }
0x3: {  	_ = 	snop  }
0x4: {  	_ = 	snop  }
0x5: {  	_ = 	snop  }
0x6: {  	_ = 	snop  }
0x7: {  	_ = 	snop  }
__scs_overlays_trampoline_lowered:
0x8: {  	[smem:$0x3FA9] =	sst s0  }
0x9: {  	[smem:$0x3FAA] =	sst s1  }
0xa: {  	[smem:$0x3FAB] =	sst s2  }
0xb: {  	[smem:$0x3FAC] =	sst s3  }
0xc: {  	[smem:$0x3FAD] =	sst s4  }
0xd: {  	[smem:$0x3FAE] =	sst s5  }
0xe: {  	[smem:$0x3FAF] =	sst s6  }
0xf: {  	[smem:$0x3FB0] =	sst s7  }
0x10: {  	[smem:$0x3FB1] =	sst s8  }
0x11: {  	[smem:$0x3FB2] =	sst s9;
	s0 =	simm.s32 @!p0 $0x0  }
0x12: {  	s1 =	sld [smem:$0x3F98];
	s0 =	simm.s32 @p0 $0x1  }
0x13: {  	[smem:$0x3FB3] =	sst s0;
	s0 =	simm.s32 @!p1 $0x0  }
0x14: {  	s2 =	sld [smem:$0x3F97];
	s0 =	simm.s32 @p1 $0x1  }
0x15: {  	[smem:$0x3FB4] =	sst s0;
	s0 =	simm.s32 @!p2 $0x0  }
0x16: {  	s3 =	sld [smem:$0x3FDB];
	s0 =	simm.s32 @p2 $0x1  }
0x17: {  	s4 =	simm.s32 $0x1BF5;
	[smem:$0x3FB6] =	sst s0  }
0x18: {  	s0 =	sld [smem:$0x3F99];
	_ =	swait.ge [sflag:s4], $0x0  }
0x19: {  	s7 =	sld [smem:$0x3F9A]  }
0x1a: {  	s8 =	sadd.s32 $0xFFFFE003, lr  }
0x1b: {  	s9 =	sadd.s32 $0xFFFFFEF7, lr;
	s5 =	simm.s32 $0xFFFFFFFF;
	p2 =	slt.u32 s8, $0xFFFFF086  }
0x1c: {  	p1 =	slt.u32 s9, $0xF7A;
	s5 =	simm.s32 @!p2 $0x0  }
0x1d: {  	s5 =	simm.s32 @p1 $0x1;
	p0 =	seq.s32 s7, s2  }
0x1e: {  	s7 =	smul.u32 @!p0 $0xF7A, s2;
	p2 =	seq.s32 @!p0 s5, $0x0  }
0x1f: {  	s9 =	smul.u32 $0xF7A, s1;
	s8 =	simm.s32 @!p0 $0x1BF5;
	p2 =	por !p2, p0  }
0x20: {  	[sflag:s8] =	ssyncset.s32 @!p0 $0xFFFFF086;
	s6 =	sadd.s32 @!p0 s3, s7;
	s7 =	simm.s32 @!p0 $0x108  }
0x21: {  	s3 =	sadd.s32 s3, s9;
	s6 =	sadd.s32 @!p0 $0x88, s6;
	s7 =	simm.s32 @p2 $0x1082  }
0x22: {  	[simem:s7], [sflag:s8] =	dma.local @!p0 [hbm:s6], $0xF7A  }
0x23: {  	s9 =	sor.u32 $0xD0000000, s2;
	s6 =	simm.s32 $0x108;
	_ =	swait.ge @!p0 [sflag:s8], $0x0  }
0x24: {  	s3 =	sadd.s32 $0x88, s3;
	s6 =	simm.s32 @!p1 $0x1082;
	[sflag:s4] =	ssyncset.s32 $0xFFFFF086  }
0x25: {  	[simem:s6], [sflag:s4] =	dma.local [hbm:s3], $0xF7A  }
0x26: {  	[smem:$0x3F9A] =	sst s1;
	(tag) =	ssettag s2;
	_ =	strace s9  }
0x27: {  	s1 =	sld [smem:$0x3FAA]  }
0x28: {  	s2 =	sld [smem:$0x3FAB]  }
0x29: {  	s4 =	sld [smem:$0x3FAD]  }
0x2a: {  	p0 =	seq.s32 s5, $0x0;
	s5 =	sld [smem:$0x3FAE]  }
0x2b: {  	s6 =	sld [smem:$0x3FAF]  }
0x2c: {  	s7 =	sld [smem:$0x3FB0]  }
0x2d: {  	s3 =	simm.s32 $0x108;
	s8 =	sld [smem:$0x3FB1]  }
0x2e: {  	s3 =	simm.s32 @!p0 $0x1082;
	s9 =	sld [smem:$0x3FB2]  }
0x2f: {  	lr =	sadd.s32 s0, s3;
	s0 =	sld [smem:$0x3FA9]  }
0x30: {  	s3 =	sld [smem:$0x3FAC]  }
0x31: {  	[smem:$0x3FB5] =	sst s10  }
0x32: {  	s10 =	sld [smem:$0x3FB3];
	_ =	sdelay $0x3  }
0x33: {  	p0 =	seq.s32 s10, $0x1;
	s10 =	sld [smem:$0x3FB5];
	_ =	sdelay $0x3  }
0x34: {  	[smem:$0x3FB5] =	sst s10  }
0x35: {  	s10 =	sld [smem:$0x3FB4];
	_ =	sdelay $0x3  }
0x36: {  	p1 =	seq.s32 s10, $0x1;
	s10 =	sld [smem:$0x3FB5];
	_ =	sdelay $0x3  }
0x37: {  	[smem:$0x3FB5] =	sst s10  }
0x38: {  	s10 =	sld [smem:$0x3FB6]  }
0x39: {  	_ = 	snop;
	(pc) =	sbr.ind lr, $3  }
0x3a: {  	_ = 	snop  }
0x3b: {  	_ = 	snop  }
0x3c: {  	p2 =	seq.s32 s10, $0x1;
	s10 =	sld [smem:$0x3FB5]  }
0x3d: {  	_ =	shalt  }
0x3e: {  	_ =	shalt  }
0x3f: {  	_ =	shalt  }
0x40: {  	_ =	shalt  }
0x41: {  	_ =	shalt  }
0x42: {  	_ =	shalt  }
0x43: {  	_ =	shalt  }
0x44: {  	_ =	shalt  }
0x45: {  	_ =	shalt  }
0x46: {  	_ =	shalt  }
0x47: {  	_ =	shalt  }
0x48: {  	_ =	shalt  }
0x49: {  	_ =	shalt  }
0x4a: {  	_ =	shalt  }
0x4b: {  	_ =	shalt  }
0x4c: {  	_ =	shalt  }
0x4d: {  	_ =	shalt  }
0x4e: {  	_ =	shalt  }
0x4f: {  	_ =	shalt  }
0x50: {  	_ =	shalt  }
0x51: {  	_ =	shalt  }
0x52: {  	_ =	shalt  }
0x53: {  	_ =	shalt  }
0x54: {  	_ =	shalt  }
0x55: {  	_ =	shalt  }
0x56: {  	_ =	shalt  }
0x57: {  	_ =	shalt  }
0x58: {  	_ =	shalt  }
0x59: {  	_ =	shalt  }
0x5a: {  	_ =	shalt  }
0x5b: {  	_ =	shalt  }
0x5c: {  	_ =	shalt  }
0x5d: {  	_ =	shalt  }
0x5e: {  	_ =	shalt  }
0x5f: {  	_ =	shalt  }
0x60: {  	_ =	shalt  }
0x61: {  	_ =	shalt  }
0x62: {  	_ =	shalt  }
0x63: {  	_ =	shalt  }
0x64: {  	_ =	shalt  }
0x65: {  	_ =	shalt  }
0x66: {  	_ =	shalt  }
0x67: {  	_ =	shalt  }
0x68: {  	_ =	shalt  }
0x69: {  	_ =	shalt  }
0x6a: {  	_ =	shalt  }
0x6b: {  	_ =	shalt  }
0x6c: {  	_ =	shalt  }
0x6d: {  	_ =	shalt  }
0x6e: {  	_ =	shalt  }
0x6f: {  	_ =	shalt  }
0x70: {  	_ =	shalt  }
0x71: {  	_ =	shalt  }
0x72: {  	_ =	shalt  }
0x73: {  	_ =	shalt  }
0x74: {  	_ =	shalt  }
0x75: {  	_ =	shalt  }
0x76: {  	_ =	shalt  }
0x77: {  	_ =	shalt  }
0x78: {  	_ =	shalt  }
0x79: {  	_ =	shalt  }
0x7a: {  	_ =	shalt  }
0x7b: {  	_ =	shalt  }
0x7c: {  	_ =	shalt  }
0x7d: {  	_ =	shalt  }
0x7e: {  	_ =	shalt  }
0x7f: {  	_ =	shalt  }
0x80: {  	_ =	shalt  }
0x81: {  	_ =	shalt  }
0x82: {  	_ =	shalt  }
0x83: {  	_ =	shalt  }
0x84: {  	_ =	shalt  }
0x85: {  	_ =	shalt  }
0x86: {  	_ =	shalt  }
0x87: {  	_ =	shalt  }
.Lfunc_end0:
.L_simem_size_0:
called_computation.1_lowered:
.L_overlay_start_0:
0x88: {  	s2 =	sld [smem:$0x3FD9]  }
0x89: {  	s3 =	sld [smem:$0x3FFE];
	_ =	sdelay $0x1  }
0x8a: {  	s1 =	srdreg.scid  }
0x8b: {  	s0 =	sand.u32 $0x1, s1  }
0x8c: {  	s16 =	sshll.u32 s0, $0xA;
	s2 =	sadd.s32 s3, s2  }
0x8d: {  	s2 =	sadd.s32 s2, s16  }
0x8e: {  	[smem:$0x3FC1] =	sst s2  }
0x8f: {  	_ = 	snop  }
0x90: {  	(tm) =	ssettm $0x1  }
0x91: {  	s17 =	sld [smem:$0x3FFB];
	_ =	sdelay $0x3  }
0x92: {  	_ =	strace s17  }
0x93: {  	s2 =	sld [smem:$0x3FFC];
	_ =	sdelay $0x3  }
0x94: {  	_ =	strace s2  }
0x95: {  	s2 =	sld [smem:$0x3FFD];
	_ =	sdelay $0x3  }
0x96: {  	_ =	strace s2  }
0x97: {  	_ =	strace $0x8FFFFFFF  }
0x98: {  	s18 =	sld [smem:$0x3FDB];
	_ =	sdelay $0x1  }
0x99: {  	s19 =	simm.s32 $_scs_section_size  }
0x9a: {  	s4 =	simm.s32 $_size__tile_overlayer_lowered;
	s5 =	simm.s32 $_tile_overlayer_lowered  }
0x9b: {  	s22 =	simm.s32 $0x1BFF;
	s21 =	sshll.u32 s5, $0x1;
	s2 =	sadd.s32 s19, s18  }
0x9c: {  	s6 =	simm.s32 $0x0;
	s20 =	sshll.u32 s4, $0x1;
	s4 =	sadd.s32 s21, s2  }
0x9d: {  	[timem:s6], [sflag:s22] =	dma.local [hbm:s4], s20  }
0x9e: {  	_ =	swait.ge [sflag:s22], s20  }
0x9f: {  	s3 =	ssub.s32 $0x0, s20;
	[sflag:s22] =	ssyncset.done $0x0  }
0xa0: {  	[sflag:s22] =	ssyncadd.s32 s3;
	_ =	sdelay $0x1  }
0xa1: {  	s23 =	simm.s32 $0x1B8B  }
0xa2: {  	_ =	swait.ge [sflag:s23], $0x1  }
0xa3: {  	[sflag:s23] =	ssyncset.done $0x0  }
0xa4: {  	s25 =	simm.s32 $0x1B8E;
	s24 =	sld [smem:$0x3FFE];
	[sflag:s23] =	ssyncadd.s32 $0xFFFFFFFF  }
0xa5: {  	s26 =	simm.s32 $execute0_lowered;
	[smem:$0x3FD2] =	sst s25  }
0xa6: {  	s4 =	sshll.u32 s26, $0x1;
	_ =	strace $0x80000049;
	[dreg:$0x1] =	wrdreg $0xFFFFFFFF  }
0xa7: {  	s28 =	simm.s32 $_size_execute0_lowered;
	s2 =	sadd.s32 s2, s4;
	[dreg:$0x0] =	wrdreg $0x0  }
0xa8: {  	s4 =	sshll.u32 s28, $0x1;
	[dreg:$0x2] =	wrdreg s2  }
0xa9: {  	[dreg:$0x3] =	wrdreg s4  }
0xaa: {  	[dreg:$0x4] =	wrdreg $0xC0  }
0xab: {  	_ =	task [dreg:s6], $0x5FFFF  }
0xac: {  	[dreg:$0x1] =	wrdreg $0xFFFFFFFF  }
0xad: {  	[dreg:$0x0] =	wrdreg $0x60  }
0xae: {  	[dreg:$0x2] =	wrdreg s24  }
0xaf: {  	[dreg:$0x3] =	wrdreg $0x90000  }
0xb0: {  	[dreg:$0x4] =	wrdreg $0x9  }
0xb1: {  	_ =	task.clear_ibuf [dreg:s6], $0x5FFFF;
	_ =	strace $0x90000049  }
0xb2: {  	s29 =	simm.s32 $0x9;
	_ =	strace $0x8000004B  }
0xb3: {  	_ =	swait.ge [sflag:s29], $0x1  }
0xb4: {  	[sflag:s29] =	ssyncadd.s32 $0xFFFFFFFF  }
0xb5: {  	_ =	strace $0x9000004B  }
0xb6: {  	_ =	sfence  }
0xb7: {  	s30 =	sld [smem:$0x0];
	_ =	sdelay $0x2  }
0xb8: {  	s31 =	sshll.u32 s1, $0xD;
	s1 =	sshrl.u32 s1, $0x2  }
0xb9: {  	s3 =	sand.u32 $0x4000, s31;
	s1 =	sadd.s32 s1, s30  }
0xba: {  	s0 =	sor.u32 s3, s0;
	s1 =	sshll.u32 s1, $0x11  }
0xbb: {  	s0 =	sor.u32 s1, s0  }
0xbc: {  	s0 =	sadd.s32 $0x8F2B, s0  }
0xbd: {  	[sflag:s0] =	ssyncadd.remote.s32 $0x1  }
0xbe: {  	_ =	sfence.sel $0xFFFF  }
0xbf: {  	[dreg:$0x0] =	wrdreg $0xFFFFFFFF;
	(pc) =	sbr.abs _section_cstart, $3  }
0xc0: {  	[dreg:$0x1] =	wrdreg $0xFFFFFFFF  }
0xc1: {  	_ =	task.clear_ibuf [dreg:s6], $0x2FFFF;
	_ =	strace $0x9FFFFFFF  }
0xc2: {  	(tm) =	ssettm $0x7FFFFFFF  }
0xc3: {  	_ =	shalt  }
tec
execute0_lowered:
.L_overlay_start_1:
0x0: {  	(tag) =	ssettag $0x1  }
0x1: {  	s1 =	srdreg.scid;
	s6 =	rddreg [dreg:$0x0]  }
0x2: {  	s0 =	stileid.u32;
	s2 =	rddreg [dreg:$0x1]  }
0x3: {  	s3 =	simm.s32 $0x0;
	s14 =	simm.s32 $0x80;
	s15 =	simm.s32 $0x5000  }
0x4: {  	s16 =	simm.s32 $0x0;
	s5 =	sand.u32 $0x1, s1;
	s8 =	smul.u32 $0x13C00, s0  }
0x5: {  	s25 =	sshll.u32 s0, $0x1;
	[smem:$0x7FF] =	sst s3;
	s28 =	smul.u32 $0x4F000, s0  }
0x6: {  	s4 =	sadd.s32 $0x2AE00, s6;
	s1 =	sor.u32 s5, s25;
	s9 =	smul.u32 $0x13C000, s5  }
0x7: {  	s31 =	sshll.u32 s0, $0x6;
	s5 =	ssub.s32 $0x2, s5;
	s7 =	smul.u32 $0x500, s1  }
0x8: {  	s1 =	rddreg [dreg:$0x2];
	_ =	strace $0x8000004A;
	s26 =	sshrl.u32 s8, $0x3  }
0x9: {  	s29 =	sshrl.u32 s5, $0x1;
	s30 =	sshrl.u32 s28, $0x2;
	s8 =	sadd.s32 s8, s9  }
0xa: {  	s12 =	ssub.s32 s5, s29;
	s13 =	sadd.s32 s30, s2;
	s8 =	sshrl.u32 s8, $0x3  }
0xb: {  	s10 =	sadd.s32 s7, s6;
	s7 =	sadd.s32 s26, s6;
	s11 =	sadd.s32 s8, s6  }
0xc: {  	s5 =	sadd.s32 $0x3600, s7;
	s6 =	sor.u32 $0x1C01, s31;
	s7 =	sadd.s32 $0xC8E00, s10  }
0xd: {  	s8 =	sadd.s32 $0xD2E00, s10;
	s10 =	smax.u32 s12, $0x1;
	s12 =	simm.s32 $0x1  }
0xe: {  	s9 =	sadd.s32 $0xDCE00, s11;
	s11 =	sshrl.u32 s13, $0x3;
	s13 =	simm.s32 $0x2800  }
.LBB2_1:
0xf: {  	[spmem:s11], [sflag:s6] =	dma.local [hbm:s5], $0x2780  }
0x10: {  	_ =	swait.ge [sflag:s12], $0x2780  }
0x11: {  	[sflag:s12] =	ssyncset.done $0x0  }
0x12: {  	[sflag:s12] =	ssyncadd.s32 $0xFFFFD880  }
0x13: {  	[tilespmem:s3], [sflag:$0x1] =	stream.linear.gather [hbm4b:s7+s3], $0x2800, $0x38;
	[tilespmem:$0x1CC00] =	vst v63  }
0x14: {  	_ =	swait.ge [sflag:s12], $0x2800  }
0x15: {  	[sflag:s12] =	ssyncset.done $0x0  }
0x16: {  	[sflag:s12] =	ssyncadd.s32 $0xFFFFD800  }
0x17: {  	[tilespmem:s13], [sflag:$0x1] =	stream.linear.gather [hbm4b:s8+s3], $0x2800, $0x38;
	[tilespmem:$0x1CC00] =	vst v63  }
0x18: {  	_ =	swait.ge [sflag:s12], $0x2800  }
0x19: {  	[sflag:s12] =	ssyncset.done $0x0  }
0x1a: {  	[sflag:s12] =	ssyncadd.s32 $0xFFFFD800  }
0x1b: {  	s17 =	simm.s32 $0x0;
	[bflag:$0x0] =	sbarrier.arrive $0xFFFF  }
0x1c: {  	[tilespmem:s15], [sflag:$0x1] =	stream.indirect.gather [hbm4b:s4+s14], $0x80, s17, s14, $0xb8;
	[tilespmem:$0x1CC00] =	vst v63  }
0x1d: {  	_ =	swait.ge [sflag:s12], $0x4000  }
0x1e: {  	[sflag:s12] =	ssyncset.done $0x0  }
0x1f: {  	s31 =	simm.s32 $0x2800;
	[sflag:s12] =	ssyncadd.s32 $0xFFFFC000  }
0x20: {  	[spmem:s2] =	stream.indirect.scatter.add.f32 [tilespmem:s15], [sflag:$0x1], $0x80, s31, s14, $0xb8;
	[tilespmem:$0x1CC00] =	vst v63  }
0x21: {  	_ =	swait.ge [sflag:s12], $0x4000  }
0x22: {  	s18 =	simm.s32 $0x400;
	s17 =	simm.s32 $0x200;
	[sflag:s12] =	ssyncset.done $0x0  }
.LBB2_2:
0x23: {  	s19 =	sshra.s32 s17, $0x2  }
0x24: {  	[sflag:s12] =	ssyncadd.s32 $0xFFFFC000;
	s17 =	smov.u32 s18;
	s20 =	sadd.s32 $0x200, s18  }
0x25: {  	[tilespmem:s15], [sflag:$0x1] =	stream.indirect.gather [hbm4b:s4+s14], $0x80, s19, s14, $0xb8;
	[tilespmem:$0x1CC00] =	vst v63  }
0x26: {  	p0 =	sne.s32 s18, $0x9E00;
	_ =	swait.ge [sflag:s12], $0x4000  }
.Ltmp0:
0x27: {  	[sflag:s12] =	ssyncset.done $0x0;
	(pc) =	sbr.rel @p0 .LBB2_2-.Ltmp0, $4  }
0x28: {  	s18 =	sadd.s32 $0x2800, s19;
	[sflag:s12] =	ssyncadd.s32 $0xFFFFC000  }
0x29: {  	[spmem:s2] =	stream.indirect.scatter.add.f32 [tilespmem:s15], [sflag:$0x1], $0x80, s18, s14, $0xb8;
	[tilespmem:$0x1CC00] =	vst v63  }
0x2a: {  	_ =	swait.ge [sflag:s12], $0x4000  }
0x2b: {  	s18 =	smov.u32 s20;
	[sflag:s12] =	ssyncset.done $0x0  }
0x2c: {  	s17 =	sshra.s32 s17, $0x2;
	[sflag:s12] =	ssyncadd.s32 $0xFFFFC000  }
0x2d: {  	[tilespmem:s15], [sflag:$0x1] =	stream.indirect.gather [hbm4b:s4+s14], $0x80, s17, s14, $0xb8;
	[tilespmem:$0x1CC00] =	vst v63  }
0x2e: {  	_ =	swait.ge [sflag:s12], $0x4000  }
0x2f: {  	[sflag:s12] =	ssyncset.done $0x0  }
0x30: {  	s17 =	sadd.s32 $0x2800, s17;
	[sflag:s12] =	ssyncadd.s32 $0xFFFFC000  }
0x31: {  	[spmem:s2] =	stream.indirect.scatter.add.f32 [tilespmem:s15], [sflag:$0x1], $0x80, s17, s14, $0xb8;
	[tilespmem:$0x1CC00] =	vst v63  }
0x32: {  	_ =	swait.ge [sflag:s12], $0x4000  }
0x33: {  	s16 =	sadd.s32 $0x1, s16;
	[sflag:s12] =	ssyncset.done $0x0  }
0x34: {  	p0 =	sne.s32 s16, s10;
	[sflag:s12] =	ssyncadd.s32 $0xFFFFC000  }
.Ltmp1:
0x35: {  	[bflag:$0x0] =	sbarrier.arrive $0xFFFF;
	(pc) =	sbr.rel @p0 .LBB2_1-.Ltmp1, $4  }
0x36: {  	[hbm:s9], [sflag:s6] =	dma.local [spmem:s11], $0x2780  }
0x37: {  	_ =	swait.ge [sflag:s12], $0x2780  }
0x38: {  	[sflag:s12] =	ssyncset.done $0x0  }
0x39: {  	[sflag:s12] =	ssyncadd.s32 $0xFFFFD880  }
0x3a: {  	_ =	sfence.sel $0x180000  }
0x3b: {  	[bflag:$0x0] =	sbarrier.arrive $0xFFFF  }
0x3c: {  	p0 =	sne.s32 s0, $0x0;
	_ =	strace $0x9000004A  }
0x3d: {  	s0 =	sadd.s32 @!p0 $0x100000, s1;
	[bflag:$0x2] =	sbarrier.arrive $0xFFFF  }
0x3e: {  	[sflag:s0] =	ssyncadd.tile.s32 @!p0 $0x1;
	_ =	shalt  }
.Lfunc_end2:
_tile_overlayer_lowered:
.L_overlay_start_2:
0x3f: {  	(tag) =	ssettag $0x2  }
0x40: {  	s0 =	rddreg [dreg:$0x0];
	s2 =	stileid.u32  }
0x41: {  	s1 =	rddreg [dreg:$0x1];
	p0 =	sne.s32 s2, $0x0  }
0x42: {  	s3 =	rddreg [dreg:$0x2];
	[bflag:$0x3] =	sbarrier.arrive $0xFFFF;
	s2 =	simm.s32 @!p0 $0x1C01  }
0x43: {  	[timem:s3], [sflag:s2] =	dma.local @!p0 [hbm:s0], s1  }
0x44: {  	s0 =	simm.s32 @!p0 $0x1  }
0x45: {  	_ =	swait.ge @!p0 [sflag:s0], s1  }
0x46: {  	s1 =	ssub.s32 @!p0 $0x0, s1;
	[sflag:s0] =	ssyncset.done @!p0 $0x0  }
0x47: {  	[sflag:s0] =	ssyncadd.s32 @!p0 s1  }
0x48: {  	[bflag:$0x3] =	sbarrier.arrive $0xFFFF  }
0x49: {  	_ =	shalt  }

// kernel: kernel.16.cloned.1.call-start
scs
__scs_entry_jumppad:
0x0: {  	(pc) =	sbr.rel $0x88, $3  }
0x1: {  	(tag) =	ssettag $0x0;
	lr =	simm.s32 $0x1  }
0x2: {  	[smem:$0x3F9A] =	sst lr;
	_ =	strace $0xD0000000  }
0x3: {  	_ = 	snop  }
0x4: {  	_ = 	snop  }
0x5: {  	_ = 	snop  }
0x6: {  	_ = 	snop  }
0x7: {  	_ = 	snop  }
__scs_overlays_trampoline_lowered:
0x8: {  	[smem:$0x3FA9] =	sst s0  }
0x9: {  	[smem:$0x3FAA] =	sst s1  }
0xa: {  	[smem:$0x3FAB] =	sst s2  }
0xb: {  	[smem:$0x3FAC] =	sst s3  }
0xc: {  	[smem:$0x3FAD] =	sst s4  }
0xd: {  	[smem:$0x3FAE] =	sst s5  }
0xe: {  	[smem:$0x3FAF] =	sst s6  }
0xf: {  	[smem:$0x3FB0] =	sst s7  }
0x10: {  	[smem:$0x3FB1] =	sst s8  }
0x11: {  	[smem:$0x3FB2] =	sst s9;
	s0 =	simm.s32 @!p0 $0x0  }
0x12: {  	s1 =	sld [smem:$0x3F98];
	s0 =	simm.s32 @p0 $0x1  }
0x13: {  	[smem:$0x3FB3] =	sst s0;
	s0 =	simm.s32 @!p1 $0x0  }
0x14: {  	s2 =	sld [smem:$0x3F97];
	s0 =	simm.s32 @p1 $0x1  }
0x15: {  	[smem:$0x3FB4] =	sst s0;
	s0 =	simm.s32 @!p2 $0x0  }
0x16: {  	s3 =	sld [smem:$0x3FDB];
	s0 =	simm.s32 @p2 $0x1  }
0x17: {  	s4 =	simm.s32 $0x1BF5;
	[smem:$0x3FB6] =	sst s0  }
0x18: {  	s0 =	sld [smem:$0x3F99];
	_ =	swait.ge [sflag:s4], $0x0  }
0x19: {  	s7 =	sld [smem:$0x3F9A]  }
0x1a: {  	s8 =	sadd.s32 $0xFFFFE003, lr  }
0x1b: {  	s9 =	sadd.s32 $0xFFFFFEF7, lr;
	s5 =	simm.s32 $0xFFFFFFFF;
	p2 =	slt.u32 s8, $0xFFFFF086  }
0x1c: {  	p1 =	slt.u32 s9, $0xF7A;
	s5 =	simm.s32 @!p2 $0x0  }
0x1d: {  	s5 =	simm.s32 @p1 $0x1;
	p0 =	seq.s32 s7, s2  }
0x1e: {  	s7 =	smul.u32 @!p0 $0xF7A, s2;
	p2 =	seq.s32 @!p0 s5, $0x0  }
0x1f: {  	s9 =	smul.u32 $0xF7A, s1;
	s8 =	simm.s32 @!p0 $0x1BF5;
	p2 =	por !p2, p0  }
0x20: {  	[sflag:s8] =	ssyncset.s32 @!p0 $0xFFFFF086;
	s6 =	sadd.s32 @!p0 s3, s7;
	s7 =	simm.s32 @!p0 $0x108  }
0x21: {  	s3 =	sadd.s32 s3, s9;
	s6 =	sadd.s32 @!p0 $0x88, s6;
	s7 =	simm.s32 @p2 $0x1082  }
0x22: {  	[simem:s7], [sflag:s8] =	dma.local @!p0 [hbm:s6], $0xF7A  }
0x23: {  	s9 =	sor.u32 $0xD0000000, s2;
	s6 =	simm.s32 $0x108;
	_ =	swait.ge @!p0 [sflag:s8], $0x0  }
0x24: {  	s3 =	sadd.s32 $0x88, s3;
	s6 =	simm.s32 @!p1 $0x1082;
	[sflag:s4] =	ssyncset.s32 $0xFFFFF086  }
0x25: {  	[simem:s6], [sflag:s4] =	dma.local [hbm:s3], $0xF7A  }
0x26: {  	[smem:$0x3F9A] =	sst s1;
	(tag) =	ssettag s2;
	_ =	strace s9  }
0x27: {  	s1 =	sld [smem:$0x3FAA]  }
0x28: {  	s2 =	sld [smem:$0x3FAB]  }
0x29: {  	s4 =	sld [smem:$0x3FAD]  }
0x2a: {  	p0 =	seq.s32 s5, $0x0;
	s5 =	sld [smem:$0x3FAE]  }
0x2b: {  	s6 =	sld [smem:$0x3FAF]  }
0x2c: {  	s7 =	sld [smem:$0x3FB0]  }
0x2d: {  	s3 =	simm.s32 $0x108;
	s8 =	sld [smem:$0x3FB1]  }
0x2e: {  	s3 =	simm.s32 @!p0 $0x1082;
	s9 =	sld [smem:$0x3FB2]  }
0x2f: {  	lr =	sadd.s32 s0, s3;
	s0 =	sld [smem:$0x3FA9]  }
0x30: {  	s3 =	sld [smem:$0x3FAC]  }
0x31: {  	[smem:$0x3FB5] =	sst s10  }
0x32: {  	s10 =	sld [smem:$0x3FB3];
	_ =	sdelay $0x3  }
0x33: {  	p0 =	seq.s32 s10, $0x1;
	s10 =	sld [smem:$0x3FB5];
	_ =	sdelay $0x3  }
0x34: {  	[smem:$0x3FB5] =	sst s10  }
0x35: {  	s10 =	sld [smem:$0x3FB4];
	_ =	sdelay $0x3  }
0x36: {  	p1 =	seq.s32 s10, $0x1;
	s10 =	sld [smem:$0x3FB5];
	_ =	sdelay $0x3  }
0x37: {  	[smem:$0x3FB5] =	sst s10  }
0x38: {  	s10 =	sld [smem:$0x3FB6]  }
0x39: {  	_ = 	snop;
	(pc) =	sbr.ind lr, $3  }
0x3a: {  	_ = 	snop  }
0x3b: {  	_ = 	snop  }
0x3c: {  	p2 =	seq.s32 s10, $0x1;
	s10 =	sld [smem:$0x3FB5]  }
0x3d: {  	_ =	shalt  }
0x3e: {  	_ =	shalt  }
0x3f: {  	_ =	shalt  }
0x40: {  	_ =	shalt  }
0x41: {  	_ =	shalt  }
0x42: {  	_ =	shalt  }
0x43: {  	_ =	shalt  }
0x44: {  	_ =	shalt  }
0x45: {  	_ =	shalt  }
0x46: {  	_ =	shalt  }
0x47: {  	_ =	shalt  }
0x48: {  	_ =	shalt  }
0x49: {  	_ =	shalt  }
0x4a: {  	_ =	shalt  }
0x4b: {  	_ =	shalt  }
0x4c: {  	_ =	shalt  }
0x4d: {  	_ =	shalt  }
0x4e: {  	_ =	shalt  }
0x4f: {  	_ =	shalt  }
0x50: {  	_ =	shalt  }
0x51: {  	_ =	shalt  }
0x52: {  	_ =	shalt  }
0x53: {  	_ =	shalt  }
0x54: {  	_ =	shalt  }
0x55: {  	_ =	shalt  }
0x56: {  	_ =	shalt  }
0x57: {  	_ =	shalt  }
0x58: {  	_ =	shalt  }
0x59: {  	_ =	shalt  }
0x5a: {  	_ =	shalt  }
0x5b: {  	_ =	shalt  }
0x5c: {  	_ =	shalt  }
0x5d: {  	_ =	shalt  }
0x5e: {  	_ =	shalt  }
0x5f: {  	_ =	shalt  }
0x60: {  	_ =	shalt  }
0x61: {  	_ =	shalt  }
0x62: {  	_ =	shalt  }
0x63: {  	_ =	shalt  }
0x64: {  	_ =	shalt  }
0x65: {  	_ =	shalt  }
0x66: {  	_ =	shalt  }
0x67: {  	_ =	shalt  }
0x68: {  	_ =	shalt  }
0x69: {  	_ =	shalt  }
0x6a: {  	_ =	shalt  }
0x6b: {  	_ =	shalt  }
0x6c: {  	_ =	shalt  }
0x6d: {  	_ =	shalt  }
0x6e: {  	_ =	shalt  }
0x6f: {  	_ =	shalt  }
0x70: {  	_ =	shalt  }
0x71: {  	_ =	shalt  }
0x72: {  	_ =	shalt  }
0x73: {  	_ =	shalt  }
0x74: {  	_ =	shalt  }
0x75: {  	_ =	shalt  }
0x76: {  	_ =	shalt  }
0x77: {  	_ =	shalt  }
0x78: {  	_ =	shalt  }
0x79: {  	_ =	shalt  }
0x7a: {  	_ =	shalt  }
0x7b: {  	_ =	shalt  }
0x7c: {  	_ =	shalt  }
0x7d: {  	_ =	shalt  }
0x7e: {  	_ =	shalt  }
0x7f: {  	_ =	shalt  }
0x80: {  	_ =	shalt  }
0x81: {  	_ =	shalt  }
0x82: {  	_ =	shalt  }
0x83: {  	_ =	shalt  }
0x84: {  	_ =	shalt  }
0x85: {  	_ =	shalt  }
0x86: {  	_ =	shalt  }
0x87: {  	_ =	shalt  }
.Lfunc_end0:
.L_simem_size_0:
called_computation.2_lowered:
.L_overlay_start_0:
0x88: {  	s2 =	sld [smem:$0x3FD9]  }
0x89: {  	s3 =	sld [smem:$0x3FFE];
	_ =	sdelay $0x1  }
0x8a: {  	s1 =	srdreg.scid  }
0x8b: {  	s0 =	sand.u32 $0x1, s1  }
0x8c: {  	s16 =	sshll.u32 s0, $0xA;
	s2 =	sadd.s32 s3, s2  }
0x8d: {  	s2 =	sadd.s32 s2, s16  }
0x8e: {  	[smem:$0x3FC1] =	sst s2  }
0x8f: {  	_ = 	snop  }
0x90: {  	(tm) =	ssettm $0x1  }
0x91: {  	s17 =	sld [smem:$0x3FFB];
	_ =	sdelay $0x3  }
0x92: {  	_ =	strace s17  }
0x93: {  	s2 =	sld [smem:$0x3FFC];
	_ =	sdelay $0x3  }
0x94: {  	_ =	strace s2  }
0x95: {  	s2 =	sld [smem:$0x3FFD];
	_ =	sdelay $0x3  }
0x96: {  	_ =	strace s2  }
0x97: {  	_ =	strace $0x8FFFFFFF  }
0x98: {  	s18 =	sld [smem:$0x3FDB];
	_ =	sdelay $0x1  }
0x99: {  	s19 =	simm.s32 $_scs_section_size  }
0x9a: {  	s4 =	simm.s32 $_size__tile_overlayer_lowered;
	s5 =	simm.s32 $_tile_overlayer_lowered  }
0x9b: {  	s22 =	simm.s32 $0x1BFF;
	s21 =	sshll.u32 s5, $0x1;
	s2 =	sadd.s32 s19, s18  }
0x9c: {  	s6 =	simm.s32 $0x0;
	s20 =	sshll.u32 s4, $0x1;
	s4 =	sadd.s32 s21, s2  }
0x9d: {  	[timem:s6], [sflag:s22] =	dma.local [hbm:s4], s20  }
0x9e: {  	_ =	swait.ge [sflag:s22], s20  }
0x9f: {  	s3 =	ssub.s32 $0x0, s20;
	[sflag:s22] =	ssyncset.done $0x0  }
0xa0: {  	[sflag:s22] =	ssyncadd.s32 s3;
	_ =	sdelay $0x1  }
0xa1: {  	s23 =	simm.s32 $0x1B8B  }
0xa2: {  	_ =	swait.ge [sflag:s23], $0x1  }
0xa3: {  	[sflag:s23] =	ssyncset.done $0x0  }
0xa4: {  	s25 =	simm.s32 $0x1B8E;
	s24 =	sld [smem:$0x3FFE];
	[sflag:s23] =	ssyncadd.s32 $0xFFFFFFFF  }
0xa5: {  	s26 =	simm.s32 $execute0_lowered;
	[smem:$0x3FD2] =	sst s25  }
0xa6: {  	s4 =	sshll.u32 s26, $0x1;
	_ =	strace $0x8000004C;
	[dreg:$0x1] =	wrdreg $0xFFFFFFFF  }
0xa7: {  	s28 =	simm.s32 $_size_execute0_lowered;
	s2 =	sadd.s32 s2, s4;
	[dreg:$0x0] =	wrdreg $0x0  }
0xa8: {  	s4 =	sshll.u32 s28, $0x1;
	[dreg:$0x2] =	wrdreg s2  }
0xa9: {  	[dreg:$0x3] =	wrdreg s4  }
0xaa: {  	[dreg:$0x4] =	wrdreg $0xC0  }
0xab: {  	_ =	task [dreg:s6], $0x5FFFF  }
0xac: {  	[dreg:$0x1] =	wrdreg $0xFFFFFFFF  }
0xad: {  	[dreg:$0x0] =	wrdreg $0x60  }
0xae: {  	[dreg:$0x2] =	wrdreg s24  }
0xaf: {  	[dreg:$0x3] =	wrdreg $0x90000  }
0xb0: {  	[dreg:$0x4] =	wrdreg $0x9  }
0xb1: {  	_ =	task.clear_ibuf [dreg:s6], $0x5FFFF;
	_ =	strace $0x9000004C  }
0xb2: {  	s29 =	simm.s32 $0x9;
	_ =	strace $0x8000004E  }
0xb3: {  	_ =	swait.ge [sflag:s29], $0x1  }
0xb4: {  	[sflag:s29] =	ssyncadd.s32 $0xFFFFFFFF  }
0xb5: {  	_ =	strace $0x9000004E  }
0xb6: {  	_ =	sfence  }
0xb7: {  	s30 =	sld [smem:$0x0];
	_ =	sdelay $0x2  }
0xb8: {  	s31 =	sshll.u32 s1, $0xD;
	s1 =	sshrl.u32 s1, $0x2  }
0xb9: {  	s3 =	sand.u32 $0x4000, s31;
	s1 =	sadd.s32 s1, s30  }
0xba: {  	s0 =	sor.u32 s3, s0;
	s1 =	sshll.u32 s1, $0x11  }
0xbb: {  	s0 =	sor.u32 s1, s0  }
0xbc: {  	s0 =	sadd.s32 $0x8F2B, s0  }
0xbd: {  	[sflag:s0] =	ssyncadd.remote.s32 $0x1  }
0xbe: {  	_ =	sfence.sel $0xFFFF  }
0xbf: {  	[dreg:$0x0] =	wrdreg $0xFFFFFFFF;
	(pc) =	sbr.abs _section_cstart, $3  }
0xc0: {  	[dreg:$0x1] =	wrdreg $0xFFFFFFFF  }
0xc1: {  	_ =	task.clear_ibuf [dreg:s6], $0x2FFFF;
	_ =	strace $0x9FFFFFFF  }
0xc2: {  	(tm) =	ssettm $0x7FFFFFFF  }
0xc3: {  	_ =	shalt  }
tec
execute0_lowered:
.L_overlay_start_1:
0x0: {  	(tag) =	ssettag $0x1  }
0x1: {  	s1 =	srdreg.scid;
	s6 =	rddreg [dreg:$0x0]  }
0x2: {  	s0 =	stileid.u32;
	s2 =	rddreg [dreg:$0x1]  }
0x3: {  	s3 =	simm.s32 $0x0;
	s14 =	simm.s32 $0x80;
	s15 =	simm.s32 $0x5000  }
0x4: {  	s16 =	simm.s32 $0x0;
	s5 =	sand.u32 $0x1, s1;
	s8 =	smul.u32 $0x13C00, s0  }
0x5: {  	s25 =	sshll.u32 s0, $0x1;
	[smem:$0x7FF] =	sst s3;
	s28 =	smul.u32 $0x4F000, s0  }
0x6: {  	s4 =	sadd.s32 $0x2AE00, s6;
	s1 =	sor.u32 s5, s25;
	s9 =	smul.u32 $0x13C000, s5  }
0x7: {  	s31 =	sshll.u32 s0, $0x6;
	s5 =	ssub.s32 $0x2, s5;
	s7 =	smul.u32 $0x500, s1  }
0x8: {  	s1 =	rddreg [dreg:$0x2];
	_ =	strace $0x8000004D;
	s26 =	sshrl.u32 s8, $0x3  }
0x9: {  	s29 =	sshrl.u32 s5, $0x1;
	s30 =	sshrl.u32 s28, $0x2;
	s8 =	sadd.s32 s8, s9  }
0xa: {  	s12 =	ssub.s32 s5, s29;
	s13 =	sadd.s32 s30, s2;
	s8 =	sshrl.u32 s8, $0x3  }
0xb: {  	s10 =	sadd.s32 s7, s6;
	s7 =	sadd.s32 s26, s6;
	s11 =	sadd.s32 s8, s6  }
0xc: {  	s5 =	sadd.s32 $0x3600, s7;
	s6 =	sor.u32 $0x1C01, s31;
	s7 =	sadd.s32 $0xC8E00, s10  }
0xd: {  	s8 =	sadd.s32 $0xD2E00, s10;
	s10 =	smax.u32 s12, $0x1;
	s12 =	simm.s32 $0x1  }
0xe: {  	s9 =	sadd.s32 $0x52600, s11;
	s11 =	sshrl.u32 s13, $0x3;
	s13 =	simm.s32 $0x2800  }
.LBB2_1:
0xf: {  	[spmem:s11], [sflag:s6] =	dma.local [hbm:s5], $0x2780  }
0x10: {  	_ =	swait.ge [sflag:s12], $0x2780  }
0x11: {  	[sflag:s12] =	ssyncset.done $0x0  }
0x12: {  	[sflag:s12] =	ssyncadd.s32 $0xFFFFD880  }
0x13: {  	[tilespmem:s3], [sflag:$0x1] =	stream.linear.gather [hbm4b:s7+s3], $0x2800, $0x38;
	[tilespmem:$0x1CC00] =	vst v63  }
0x14: {  	_ =	swait.ge [sflag:s12], $0x2800  }
0x15: {  	[sflag:s12] =	ssyncset.done $0x0  }
0x16: {  	[sflag:s12] =	ssyncadd.s32 $0xFFFFD800  }
0x17: {  	[tilespmem:s13], [sflag:$0x1] =	stream.linear.gather [hbm4b:s8+s3], $0x2800, $0x38;
	[tilespmem:$0x1CC00] =	vst v63  }
0x18: {  	_ =	swait.ge [sflag:s12], $0x2800  }
0x19: {  	[sflag:s12] =	ssyncset.done $0x0  }
0x1a: {  	[sflag:s12] =	ssyncadd.s32 $0xFFFFD800  }
0x1b: {  	s17 =	simm.s32 $0x0;
	[bflag:$0x0] =	sbarrier.arrive $0xFFFF  }
0x1c: {  	[tilespmem:s15], [sflag:$0x1] =	stream.indirect.gather [hbm4b:s4+s14], $0x80, s17, s14, $0xb8;
	[tilespmem:$0x1CC00] =	vst v63  }
0x1d: {  	_ =	swait.ge [sflag:s12], $0x4000  }
0x1e: {  	[sflag:s12] =	ssyncset.done $0x0  }
0x1f: {  	s31 =	simm.s32 $0x2800;
	[sflag:s12] =	ssyncadd.s32 $0xFFFFC000  }
0x20: {  	[spmem:s2] =	stream.indirect.scatter.add.f32 [tilespmem:s15], [sflag:$0x1], $0x80, s31, s14, $0xb8;
	[tilespmem:$0x1CC00] =	vst v63  }
0x21: {  	_ =	swait.ge [sflag:s12], $0x4000  }
0x22: {  	s18 =	simm.s32 $0x400;
	s17 =	simm.s32 $0x200;
	[sflag:s12] =	ssyncset.done $0x0  }
.LBB2_2:
0x23: {  	s19 =	sshra.s32 s17, $0x2  }
0x24: {  	[sflag:s12] =	ssyncadd.s32 $0xFFFFC000;
	s17 =	smov.u32 s18;
	s20 =	sadd.s32 $0x200, s18  }
0x25: {  	[tilespmem:s15], [sflag:$0x1] =	stream.indirect.gather [hbm4b:s4+s14], $0x80, s19, s14, $0xb8;
	[tilespmem:$0x1CC00] =	vst v63  }
0x26: {  	p0 =	sne.s32 s18, $0x9E00;
	_ =	swait.ge [sflag:s12], $0x4000  }
.Ltmp0:
0x27: {  	[sflag:s12] =	ssyncset.done $0x0;
	(pc) =	sbr.rel @p0 .LBB2_2-.Ltmp0, $4  }
0x28: {  	s18 =	sadd.s32 $0x2800, s19;
	[sflag:s12] =	ssyncadd.s32 $0xFFFFC000  }
0x29: {  	[spmem:s2] =	stream.indirect.scatter.add.f32 [tilespmem:s15], [sflag:$0x1], $0x80, s18, s14, $0xb8;
	[tilespmem:$0x1CC00] =	vst v63  }
0x2a: {  	_ =	swait.ge [sflag:s12], $0x4000  }
0x2b: {  	s18 =	smov.u32 s20;
	[sflag:s12] =	ssyncset.done $0x0  }
0x2c: {  	s17 =	sshra.s32 s17, $0x2;
	[sflag:s12] =	ssyncadd.s32 $0xFFFFC000  }
0x2d: {  	[tilespmem:s15], [sflag:$0x1] =	stream.indirect.gather [hbm4b:s4+s14], $0x80, s17, s14, $0xb8;
	[tilespmem:$0x1CC00] =	vst v63  }
0x2e: {  	_ =	swait.ge [sflag:s12], $0x4000  }
0x2f: {  	[sflag:s12] =	ssyncset.done $0x0  }
0x30: {  	s17 =	sadd.s32 $0x2800, s17;
	[sflag:s12] =	ssyncadd.s32 $0xFFFFC000  }
0x31: {  	[spmem:s2] =	stream.indirect.scatter.add.f32 [tilespmem:s15], [sflag:$0x1], $0x80, s17, s14, $0xb8;
	[tilespmem:$0x1CC00] =	vst v63  }
0x32: {  	_ =	swait.ge [sflag:s12], $0x4000  }
0x33: {  	s16 =	sadd.s32 $0x1, s16;
	[sflag:s12] =	ssyncset.done $0x0  }
0x34: {  	p0 =	sne.s32 s16, s10;
	[sflag:s12] =	ssyncadd.s32 $0xFFFFC000  }
.Ltmp1:
0x35: {  	[bflag:$0x0] =	sbarrier.arrive $0xFFFF;
	(pc) =	sbr.rel @p0 .LBB2_1-.Ltmp1, $4  }
0x36: {  	[hbm:s9], [sflag:s6] =	dma.local [spmem:s11], $0x2780  }
0x37: {  	_ =	swait.ge [sflag:s12], $0x2780  }
0x38: {  	[sflag:s12] =	ssyncset.done $0x0  }
0x39: {  	[sflag:s12] =	ssyncadd.s32 $0xFFFFD880  }
0x3a: {  	_ =	sfence.sel $0x180000  }
0x3b: {  	[bflag:$0x0] =	sbarrier.arrive $0xFFFF  }
0x3c: {  	p0 =	sne.s32 s0, $0x0;
	_ =	strace $0x9000004D  }
0x3d: {  	s0 =	sadd.s32 @!p0 $0x100000, s1;
	[bflag:$0x2] =	sbarrier.arrive $0xFFFF  }
0x3e: {  	[sflag:s0] =	ssyncadd.tile.s32 @!p0 $0x1;
	_ =	shalt  }
.Lfunc_end2:
_tile_overlayer_lowered:
.L_overlay_start_2:
0x3f: {  	(tag) =	ssettag $0x2  }
0x40: {  	s0 =	rddreg [dreg:$0x0];
	s2 =	stileid.u32  }
0x41: {  	s1 =	rddreg [dreg:$0x1];
	p0 =	sne.s32 s2, $0x0  }
0x42: {  	s3 =	rddreg [dreg:$0x2];
	[bflag:$0x3] =	sbarrier.arrive $0xFFFF;
	s2 =	simm.s32 @!p0 $0x1C01  }
0x43: {  	[timem:s3], [sflag:s2] =	dma.local @!p0 [hbm:s0], s1  }
0x44: {  	s0 =	simm.s32 @!p0 $0x1  }
0x45: {  	_ =	swait.ge @!p0 [sflag:s0], s1  }
0x46: {  	s1 =	ssub.s32 @!p0 $0x0, s1;
	[sflag:s0] =	ssyncset.done @!p0 $0x0  }
0x47: {  	[sflag:s0] =	ssyncadd.s32 @!p0 s1  }
0x48: {  	[bflag:$0x3] =	sbarrier.arrive $0xFFFF  }
0x49: {  	_ =	shalt  }

</sc_bundles>
